<compile_context>
chip_gen: v7x
topology: tpu7x:2x2x1
jax: 0.10.2.dev20260603
libtpu: 0.0.44.dev20260713+nightly
codegen_flags: <defaults>
</compile_context>

<pallas_src>
import functools

import jax
import jax.numpy as jnp
from jax import lax
from jax.experimental import pallas as pl
from jax.experimental.pallas import tpu as pltpu
from jax.experimental.pallas import tpu_sc as plsc

NC = 2
NS = 16
LN = 16


def _dense_stage(x, W_neighbor, W_self, bias, blk):
    n, d = x.shape
    w_cat = jnp.concatenate([W_neighbor, W_self], axis=0)

    def body(x_ref, w_ref, b_ref, y_ref, z_ref):
        xb = x_ref[...]
        dn = (((1,), (1,)), ((), ()))
        yz = lax.dot_general(xb, w_ref[...], dn,
                             preferred_element_type=jnp.float32)
        y_ref[...] = yz[:, :d]
        z_ref[...] = yz[:, d:] + b_ref[...]

    return pl.pallas_call(
        body,
        grid=(n // blk,),
        in_specs=[
            pl.BlockSpec((blk, d), lambda i: (i, 0)),
            pl.BlockSpec((2 * d, d), lambda i: (0, 0)),
            pl.BlockSpec((1, d), lambda i: (0, 0)),
        ],
        out_specs=[
            pl.BlockSpec((blk, d), lambda i: (i, 0)),
            pl.BlockSpec((blk, d), lambda i: (i, 0)),
        ],
        out_shape=[jax.ShapeDtypeStruct((n, d), jnp.float32)] * 2,
    )(x, w_cat, bias.reshape(1, d))


def _sc_stage(y, src, dst):
    n, d = y.shape
    e = src.shape[0]
    nw = NC * NS
    epw = e // nw
    ch = 80
    nch = epw // ch
    rpt = (n // NS) // 8 * 8
    tail = n - NS * rpt
    zcopies, zrem = rpt // ch, rpt % ch

    mesh = plsc.VectorSubcoreMesh(core_axis_name="c", subcore_axis_name="s",
                                  num_cores=NC, num_subcores=NS)

    @functools.partial(
        pl.kernel,
        out_type=jax.ShapeDtypeStruct((NC * n, d), jnp.float32),
        mesh=mesh,
        scratch_types=[
            pltpu.VMEM((ch,), jnp.int32),
            pltpu.VMEM((ch,), jnp.int32),
            pltpu.VMEM((ch,), jnp.int32),
            pltpu.VMEM((ch,), jnp.int32),
            pltpu.VMEM((ch, d), jnp.float32),
            pltpu.VMEM((ch, d), jnp.float32),
            pltpu.VMEM((ch, d), jnp.float32),
            pltpu.VMEM((ch, d), jnp.float32),
            pltpu.VMEM_SHARED((n, d), jnp.float32),
            pltpu.SemaphoreType.DMA,
            pltpu.SemaphoreType.DMA,
            pltpu.SemaphoreType.DMA,
            pltpu.SemaphoreType.DMA,
            pltpu.SemaphoreType.DMA,
            pltpu.SemaphoreType.DMA,
            pltpu.SemaphoreType.DMA,
            pltpu.SemaphoreType.DMA,
        ],
    )
    def k(y_hbm, src_hbm, dst_hbm, s_out,
          is0, id0, is1, id1, rs0, rd0, rs1, rd1, s_sh,
          sem_s0, sem_d0, sem_s1, sem_d1,
          sem_is0, sem_is1, sem_id0, sem_id1):
        cid = lax.axis_index("c")
        sid = lax.axis_index("s")
        wid = cid * NS + sid
        idx_s = (is0, is1)
        idx_d = (id0, id1)
        rows_s = (rs0, rs1)
        rows_d = (rd0, rd1)
        sem_s = (sem_s0, sem_s1)
        sem_d = (sem_d0, sem_d1)

        def fill(i, _):
            for j in range(d // LN):
                rs0[i, pl.ds(j * LN, LN)] = jnp.zeros((LN,), jnp.float32)
            return 0
        lax.fori_loop(0, ch, fill, 0)

        r0 = sid * rpt
        for j in range(zcopies):
            pltpu.sync_copy(rs0, s_sh.at[pl.ds(r0 + j * ch, ch)])
        if zrem:
            pltpu.sync_copy(rs0.at[pl.ds(0, zrem)],
                            s_sh.at[pl.ds(r0 + zcopies * ch, zrem)])
        if tail:
            @pl.when(sid == NS - 1)
            def _zero_tail():
                pltpu.sync_copy(rs0.at[pl.ds(0, tail)],
                                s_sh.at[pl.ds(NS * rpt, tail)])
        plsc.subcore_barrier()

        e0 = wid * epw
        sem_is = (sem_is0, sem_is1)
        sem_id = (sem_id0, sem_id1)

        def idx_fetch(g, b):
            base = e0 + g * ch
            pltpu.async_copy(src_hbm.at[pl.ds(base, ch)], idx_s[b], sem_is[b])
            pltpu.async_copy(dst_hbm.at[pl.ds(base, ch)], idx_d[b], sem_id[b])

        def idx_wait(b):
            pltpu.make_async_copy(src_hbm.at[pl.ds(0, ch)], idx_s[b],
                                  sem_is[b]).wait()
            pltpu.make_async_copy(dst_hbm.at[pl.ds(0, ch)], idx_d[b],
                                  sem_id[b]).wait()

        def gathers(b):
            pltpu.async_copy(y_hbm.at[idx_s[b]], rows_s[b], sem_s[b])
            pltpu.async_copy(y_hbm.at[idx_d[b]], rows_d[b], sem_d[b])

        def gather_wait(b):
            pltpu.make_async_copy(y_hbm.at[idx_s[b]], rows_s[b],
                                  sem_s[b]).wait()
            pltpu.make_async_copy(y_hbm.at[idx_d[b]], rows_d[b],
                                  sem_d[b]).wait()

        def finish(b):
            rs, rd = rows_s[b], rows_d[b]

            @plsc.parallel_loop(0, ch, unroll=4)
            def sub(i):
                for j in range(d // LN):
                    sl = pl.ds(j * LN, LN)
                    rs[i, sl] = rs[i, sl] - rd[i, sl]
            pltpu.sync_copy(rs, s_sh.at[idx_d[b]], add=True)

        idx_fetch(0, 0)
        idx_wait(0)
        gathers(0)
        idx_fetch(1, 1)

        def body(g, _):
            def step(b):
                bn = 1 - b
                idx_wait(bn)
                gathers(bn)
                gather_wait(b)
                finish(b)

                @pl.when(g + 2 < nch)
                def _prefetch():
                    idx_fetch(g + 2, b)

            b = lax.rem(g, 2)

            @pl.when(b == 0)
            def _even():
                step(0)

            @pl.when(b == 1)
            def _odd():
                step(1)
            return 0
        lax.fori_loop(0, nch - 1, body, 0)

        bl = (nch - 1) % 2
        gather_wait(bl)
        finish(bl)

        plsc.subcore_barrier()

        w0 = cid * n + r0
        pltpu.sync_copy(s_sh.at[pl.ds(r0, rpt)], s_out.at[pl.ds(w0, rpt)])
        if tail:
            @pl.when(sid == NS - 1)
            def _write_tail():
                pltpu.sync_copy(s_sh.at[pl.ds(NS * rpt, tail)],
                                s_out.at[pl.ds(cid * n + NS * rpt, tail)])

    return k(y, src, dst)


def _combine_stage(z, s_partial, blk):
    n, d = z.shape
    nblk = n // blk

    def body(z_ref, s0_ref, s1_ref, o_ref):
        o_ref[...] = z_ref[...] + s0_ref[...] + s1_ref[...]

    return pl.pallas_call(
        body,
        grid=(nblk,),
        in_specs=[
            pl.BlockSpec((blk, d), lambda i: (i, 0)),
            pl.BlockSpec((blk, d), lambda i: (i, 0)),
            pl.BlockSpec((blk, d), lambda i, nblk=nblk: (i + nblk, 0)),
        ],
        out_specs=pl.BlockSpec((blk, d), lambda i: (i, 0)),
        out_shape=jax.ShapeDtypeStruct((n, d), jnp.float32),
    )(z, s_partial, s_partial)


@jax.jit
def kernel(x, edge_index, W_self, W_neighbor, bias):
    src = edge_index[0]
    dst = edge_index[1]
    y, z = _dense_stage(x, W_neighbor, W_self, bias, blk=1000)
    s_partial = _sc_stage(y, src, dst)
    return _combine_stage(z, s_partial, blk=1000)

# --- scband reference (transcript-rebuilt; emitter-appended) ---
"""Pipeline reference for scband-sagraph-layer-v3-21500606284195 (READ-ONLY COPY).

The authoritative reference and input builder live on the scoring server;
editing this copy changes nothing except your own understanding.
"""

import jax, jax.numpy as jnp
import numpy as np

N = 10000
E = 320000
D_IN = 128
D_OUT = 128

def _xavier(key, shape):
    fan_in, fan_out = shape[1], shape[0]
    a = float(np.sqrt(6.0 / (fan_in + fan_out)))
    return jax.random.uniform(key, shape, dtype=jnp.float32, minval=-a, maxval=a)

def setup_inputs(seed: int = 0) -> dict:
    key = jax.random.key(seed)
    k1, k2, k3, k4 = jax.random.split(key, 4)
    x = jax.random.normal(k1, (N, D_IN), dtype=jnp.float32)
    edge_index = jax.random.randint(k2, (2, E), 0, N, dtype=jnp.int32)
    W_self = _xavier(k3, (D_OUT, D_IN))
    W_neighbor = _xavier(k4, (D_OUT, D_IN))
    bias = jnp.zeros((D_OUT,), dtype=jnp.float32)
    return {"x": x, "edge_index": edge_index, "W_self": W_self, "W_neighbor": W_neighbor, "bias": bias}

def reference(x, edge_index, W_self, W_neighbor, bias):
    src = edge_index[0]
    dst = edge_index[1]
    out_self = x @ W_self.T
    diff = jnp.take(x, src, axis=0) - jnp.take(x, dst, axis=0)
    diff_transformed = diff @ W_neighbor.T
    out_neighbors = jax.ops.segment_sum(diff_transformed, dst, num_segments=x.shape[0])
    out = out_self + out_neighbors + bias
    return out

if __name__ == "__main__":
    import jax
    _d = setup_inputs()
    print(jax.jit(kernel)(*tuple(_d.values())))

</pallas_src>

<mosaic_0001>
#map = affine_map<(d0, d1) -> (0, 0)>
#map1 = affine_map<(d0, d1) -> (0)>
module attributes {stable_mosaic.version = 14 : i64} {
  func.func @k(%arg0: i32, %arg1: i32, %arg2: memref<10000x128xf32, #tpu.memory_space<hbm>>, %arg3: memref<320000xi32, #tpu.memory_space<hbm>>, %arg4: memref<320000xi32, #tpu.memory_space<hbm>>, %arg5: memref<20000x128xf32, #tpu.memory_space<hbm>>, %arg6: memref<80xi32, #tpu.memory_space<vmem>>, %arg7: memref<80xi32, #tpu.memory_space<vmem>>, %arg8: memref<80xi32, #tpu.memory_space<vmem>>, %arg9: memref<80xi32, #tpu.memory_space<vmem>>, %arg10: memref<80x128xf32, #tpu.memory_space<vmem>>, %arg11: memref<80x128xf32, #tpu.memory_space<vmem>>, %arg12: memref<80x128xf32, #tpu.memory_space<vmem>>, %arg13: memref<80x128xf32, #tpu.memory_space<vmem>>, %arg14: memref<10000x128xf32, #tpu.memory_space<vmem_shared>>, %arg15: memref<!tpu.dma_semaphore, #tpu.memory_space<semaphore_mem>>, %arg16: memref<!tpu.dma_semaphore, #tpu.memory_space<semaphore_mem>>, %arg17: memref<!tpu.dma_semaphore, #tpu.memory_space<semaphore_mem>>, %arg18: memref<!tpu.dma_semaphore, #tpu.memory_space<semaphore_mem>>, %arg19: memref<!tpu.dma_semaphore, #tpu.memory_space<semaphore_mem>>, %arg20: memref<!tpu.dma_semaphore, #tpu.memory_space<semaphore_mem>>, %arg21: memref<!tpu.dma_semaphore, #tpu.memory_space<semaphore_mem>>, %arg22: memref<!tpu.dma_semaphore, #tpu.memory_space<semaphore_mem>>) attributes {dimension_semantics = [#tpu.dimension_semantics<core_parallel>, #tpu.dimension_semantics<subcore_parallel>], iteration_bounds = array<i64: 2, 16>, scalar_prefetch = 0 : i64, scratch_operands = 17 : i64, tpu.core_type = #tpu.core_type<sc_vector_subcore>, window_params = [{transform_indices = #map}, {transform_indices = #map1}, {transform_indices = #map1}, {transform_indices = #map}]} {
    %mul3A = arith.constant 16 : i32
    %mul3A_0 = arith.muli %arg0, %mul3A : i32
    %add3A = arith.addi %mul3A_0, %arg1 : i32
    %scan3A = arith.constant 0 : i32
    %scan3A_1 = arith.constant 0 : i32
    %scan3A_2 = arith.constant 80 : i32
    %scan3A_3 = arith.addi %scan3A_1, %scan3A_2 : i32
    %scan3A_4 = arith.constant 1 : i32
    %scan3A_5 = scf.for %scan3A_77 = %scan3A_1 to %scan3A_3 step %scan3A_4 iter_args(%scan3A_78 = %scan3A) -> (i32)  : i32 {
      %broadcast_in_dim3A = arith.constant 0.000000e+00 : f32
      %broadcast_in_dim3A_79 = vector.broadcast %broadcast_in_dim3A : f32 to vector<16xf32>
      %swap3A = arith.index_cast %scan3A_77 : i32 to index
      %swap3A_80 = arith.constant 0 : index
      %swap3A_81 = tpu.vector_load %arg10[%swap3A, %swap3A_80] {strides = array<i32>} : memref<80x128xf32, #tpu.memory_space<vmem>>, vector<1x16xf32>,
      %swap3A_82 = vector.shape_cast %swap3A_81 : vector<1x16xf32> to vector<16xf32>
      %swap3A_83 = vector.shape_cast %broadcast_in_dim3A_79 : vector<16xf32> to vector<1x16xf32>
      tpu.vector_store %arg10[%swap3A, %swap3A_80], %swap3A_83 {strides = array<i32>} : memref<80x128xf32, #tpu.memory_space<vmem>>, vector<1x16xf32>,
      %broadcast_in_dim3A_84 = arith.constant 0.000000e+00 : f32
      %broadcast_in_dim3A_85 = vector.broadcast %broadcast_in_dim3A_84 : f32 to vector<16xf32>
      %swap3A_86 = arith.index_cast %scan3A_77 : i32 to index
      %swap3A_87 = arith.constant 16 : index
      %swap3A_88 = tpu.vector_load %arg10[%swap3A_86, %swap3A_87] {strides = array<i32>} : memref<80x128xf32, #tpu.memory_space<vmem>>, vector<1x16xf32>,
      %swap3A_89 = vector.shape_cast %swap3A_88 : vector<1x16xf32> to vector<16xf32>
      %swap3A_90 = vector.shape_cast %broadcast_in_dim3A_85 : vector<16xf32> to vector<1x16xf32>
      tpu.vector_store %arg10[%swap3A_86, %swap3A_87], %swap3A_90 {strides = array<i32>} : memref<80x128xf32, #tpu.memory_space<vmem>>, vector<1x16xf32>,
      %broadcast_in_dim3A_91 = arith.constant 0.000000e+00 : f32
      %broadcast_in_dim3A_92 = vector.broadcast %broadcast_in_dim3A_91 : f32 to vector<16xf32>
      %swap3A_93 = arith.index_cast %scan3A_77 : i32 to index
      %swap3A_94 = arith.constant 32 : index
      %swap3A_95 = tpu.vector_load %arg10[%swap3A_93, %swap3A_94] {strides = array<i32>} : memref<80x128xf32, #tpu.memory_space<vmem>>, vector<1x16xf32>,
      %swap3A_96 = vector.shape_cast %swap3A_95 : vector<1x16xf32> to vector<16xf32>
      %swap3A_97 = vector.shape_cast %broadcast_in_dim3A_92 : vector<16xf32> to vector<1x16xf32>
      tpu.vector_store %arg10[%swap3A_93, %swap3A_94], %swap3A_97 {strides = array<i32>} : memref<80x128xf32, #tpu.memory_space<vmem>>, vector<1x16xf32>,
      %broadcast_in_dim3A_98 = arith.constant 0.000000e+00 : f32
      %broadcast_in_dim3A_99 = vector.broadcast %broadcast_in_dim3A_98 : f32 to vector<16xf32>
      %swap3A_100 = arith.index_cast %scan3A_77 : i32 to index
      %swap3A_101 = arith.constant 48 : index
      %swap3A_102 = tpu.vector_load %arg10[%swap3A_100, %swap3A_101] {strides = array<i32>} : memref<80x128xf32, #tpu.memory_space<vmem>>, vector<1x16xf32>,
      %swap3A_103 = vector.shape_cast %swap3A_102 : vector<1x16xf32> to vector<16xf32>
      %swap3A_104 = vector.shape_cast %broadcast_in_dim3A_99 : vector<16xf32> to vector<1x16xf32>
      tpu.vector_store %arg10[%swap3A_100, %swap3A_101], %swap3A_104 {strides = array<i32>} : memref<80x128xf32, #tpu.memory_space<vmem>>, vector<1x16xf32>,
      %broadcast_in_dim3A_105 = arith.constant 0.000000e+00 : f32
      %broadcast_in_dim3A_106 = vector.broadcast %broadcast_in_dim3A_105 : f32 to vector<16xf32>
      %swap3A_107 = arith.index_cast %scan3A_77 : i32 to index
      %swap3A_108 = arith.constant 64 : index
      %swap3A_109 = tpu.vector_load %arg10[%swap3A_107, %swap3A_108] {strides = array<i32>} : memref<80x128xf32, #tpu.memory_space<vmem>>, vector<1x16xf32>,
      %swap3A_110 = vector.shape_cast %swap3A_109 : vector<1x16xf32> to vector<16xf32>
      %swap3A_111 = vector.shape_cast %broadcast_in_dim3A_106 : vector<16xf32> to vector<1x16xf32>
      tpu.vector_store %arg10[%swap3A_107, %swap3A_108], %swap3A_111 {strides = array<i32>} : memref<80x128xf32, #tpu.memory_space<vmem>>, vector<1x16xf32>,
      %broadcast_in_dim3A_112 = arith.constant 0.000000e+00 : f32
      %broadcast_in_dim3A_113 = vector.broadcast %broadcast_in_dim3A_112 : f32 to vector<16xf32>
      %swap3A_114 = arith.index_cast %scan3A_77 : i32 to index
      %swap3A_115 = arith.constant 80 : index
      %swap3A_116 = tpu.vector_load %arg10[%swap3A_114, %swap3A_115] {strides = array<i32>} : memref<80x128xf32, #tpu.memory_space<vmem>>, vector<1x16xf32>,
      %swap3A_117 = vector.shape_cast %swap3A_116 : vector<1x16xf32> to vector<16xf32>
      %swap3A_118 = vector.shape_cast %broadcast_in_dim3A_113 : vector<16xf32> to vector<1x16xf32>
      tpu.vector_store %arg10[%swap3A_114, %swap3A_115], %swap3A_118 {strides = array<i32>} : memref<80x128xf32, #tpu.memory_space<vmem>>, vector<1x16xf32>,
      %broadcast_in_dim3A_119 = arith.constant 0.000000e+00 : f32
      %broadcast_in_dim3A_120 = vector.broadcast %broadcast_in_dim3A_119 : f32 to vector<16xf32>
      %swap3A_121 = arith.index_cast %scan3A_77 : i32 to index
      %swap3A_122 = arith.constant 96 : index
      %swap3A_123 = tpu.vector_load %arg10[%swap3A_121, %swap3A_122] {strides = array<i32>} : memref<80x128xf32, #tpu.memory_space<vmem>>, vector<1x16xf32>,
      %swap3A_124 = vector.shape_cast %swap3A_123 : vector<1x16xf32> to vector<16xf32>
      %swap3A_125 = vector.shape_cast %broadcast_in_dim3A_120 : vector<16xf32> to vector<1x16xf32>
      tpu.vector_store %arg10[%swap3A_121, %swap3A_122], %swap3A_125 {strides = array<i32>} : memref<80x128xf32, #tpu.memory_space<vmem>>, vector<1x16xf32>,
      %broadcast_in_dim3A_126 = arith.constant 0.000000e+00 : f32
      %broadcast_in_dim3A_127 = vector.broadcast %broadcast_in_dim3A_126 : f32 to vector<16xf32>
      %swap3A_128 = arith.index_cast %scan3A_77 : i32 to index
      %swap3A_129 = arith.constant 112 : index
      %swap3A_130 = tpu.vector_load %arg10[%swap3A_128, %swap3A_129] {strides = array<i32>} : memref<80x128xf32, #tpu.memory_space<vmem>>, vector<1x16xf32>,
      %swap3A_131 = vector.shape_cast %swap3A_130 : vector<1x16xf32> to vector<16xf32>
      %swap3A_132 = vector.shape_cast %broadcast_in_dim3A_127 : vector<16xf32> to vector<1x16xf32>
      tpu.vector_store %arg10[%swap3A_128, %swap3A_129], %swap3A_132 {strides = array<i32>} : memref<80x128xf32, #tpu.memory_space<vmem>>, vector<1x16xf32>,
      %scan3A_133 = arith.constant 0 : i32
      scf.yield %scan3A_133 : i32
    }
    %scan3A_6 = arith.constant 80 : i32
    %mul3A_7 = arith.constant 624 : i32
    %mul3A_8 = arith.muli %arg1, %mul3A_7 : i32
    %add3A_9 = arith.constant 0 : i32
    %add3A_10 = arith.addi %mul3A_8, %add3A_9 : i32
    "tpu.region"() ({
      %run_scoped3A = tpu.sem_alloc : memref<!tpu.dma_semaphore, #tpu.memory_space<semaphore_mem>>
      %dma_start3A_77 = arith.constant 0 : i32
      %dma_start3A_78 = tpu.memref_slice %arg14[%add3A_10, %dma_start3A_77] : memref<10000x128xf32, #tpu.memory_space<vmem_shared>> -> memref<80x128xf32, #tpu.memory_space<vmem_shared>>
      %dma_start3A_79 = arith.constant 0 : i32
      %dma_start3A_80 = tpu.memref_slice %arg14[%add3A_10, %dma_start3A_79] : memref<10000x128xf32, #tpu.memory_space<vmem_shared>> -> memref<80x128xf32, #tpu.memory_space<vmem_shared>>
      tpu.enqueue_dma source(%arg10 : memref<80x128xf32, #tpu.memory_space<vmem>>) target(%dma_start3A_80 : memref<80x128xf32, #tpu.memory_space<vmem_shared>>) target_semaphore(%run_scoped3A : memref<!tpu.dma_semaphore, #tpu.memory_space<semaphore_mem>>)
      %dma_wait3A_81 = arith.constant 0 : i32
      %dma_wait3A_82 = tpu.memref_slice %arg14[%add3A_10, %dma_wait3A_81] : memref<10000x128xf32, #tpu.memory_space<vmem_shared>> -> memref<80x128xf32, #tpu.memory_space<vmem_shared>>
      %dma_wait3A_83 = arith.constant 0 : i32
      %dma_wait3A_84 = tpu.memref_slice %arg14[%add3A_10, %dma_wait3A_83] : memref<10000x128xf32, #tpu.memory_space<vmem_shared>> -> memref<80x128xf32, #tpu.memory_space<vmem_shared>>
      tpu.wait_dma2 semaphore(%run_scoped3A : memref<!tpu.dma_semaphore, #tpu.memory_space<semaphore_mem>>) src(%arg10 : memref<80x128xf32, #tpu.memory_space<vmem>>) dst(%dma_wait3A_84 : memref<80x128xf32, #tpu.memory_space<vmem_shared>>)
      tpu.yield
    }) : () -> ()
    %add3A_11 = arith.constant 80 : i32
    %add3A_12 = arith.addi %mul3A_8, %add3A_11 : i32
    "tpu.region"() ({
      %run_scoped3A = tpu.sem_alloc : memref<!tpu.dma_semaphore, #tpu.memory_space<semaphore_mem>>
      %dma_start3A_77 = arith.constant 0 : i32
      %dma_start3A_78 = tpu.memref_slice %arg14[%add3A_12, %dma_start3A_77] : memref<10000x128xf32, #tpu.memory_space<vmem_shared>> -> memref<80x128xf32, #tpu.memory_space<vmem_shared>>
      %dma_start3A_79 = arith.constant 0 : i32
      %dma_start3A_80 = tpu.memref_slice %arg14[%add3A_12, %dma_start3A_79] : memref<10000x128xf32, #tpu.memory_space<vmem_shared>> -> memref<80x128xf32, #tpu.memory_space<vmem_shared>>
      tpu.enqueue_dma source(%arg10 : memref<80x128xf32, #tpu.memory_space<vmem>>) target(%dma_start3A_80 : memref<80x128xf32, #tpu.memory_space<vmem_shared>>) target_semaphore(%run_scoped3A : memref<!tpu.dma_semaphore, #tpu.memory_space<semaphore_mem>>)
      %dma_wait3A_81 = arith.constant 0 : i32
      %dma_wait3A_82 = tpu.memref_slice %arg14[%add3A_12, %dma_wait3A_81] : memref<10000x128xf32, #tpu.memory_space<vmem_shared>> -> memref<80x128xf32, #tpu.memory_space<vmem_shared>>
      %dma_wait3A_83 = arith.constant 0 : i32
      %dma_wait3A_84 = tpu.memref_slice %arg14[%add3A_12, %dma_wait3A_83] : memref<10000x128xf32, #tpu.memory_space<vmem_shared>> -> memref<80x128xf32, #tpu.memory_space<vmem_shared>>
      tpu.wait_dma2 semaphore(%run_scoped3A : memref<!tpu.dma_semaphore, #tpu.memory_space<semaphore_mem>>) src(%arg10 : memref<80x128xf32, #tpu.memory_space<vmem>>) dst(%dma_wait3A_84 : memref<80x128xf32, #tpu.memory_space<vmem_shared>>)
      tpu.yield
    }) : () -> ()
    %add3A_13 = arith.constant 160 : i32
    %add3A_14 = arith.addi %mul3A_8, %add3A_13 : i32
    "tpu.region"() ({
      %run_scoped3A = tpu.sem_alloc : memref<!tpu.dma_semaphore, #tpu.memory_space<semaphore_mem>>
      %dma_start3A_77 = arith.constant 0 : i32
      %dma_start3A_78 = tpu.memref_slice %arg14[%add3A_14, %dma_start3A_77] : memref<10000x128xf32, #tpu.memory_space<vmem_shared>> -> memref<80x128xf32, #tpu.memory_space<vmem_shared>>
      %dma_start3A_79 = arith.constant 0 : i32
      %dma_start3A_80 = tpu.memref_slice %arg14[%add3A_14, %dma_start3A_79] : memref<10000x128xf32, #tpu.memory_space<vmem_shared>> -> memref<80x128xf32, #tpu.memory_space<vmem_shared>>
      tpu.enqueue_dma source(%arg10 : memref<80x128xf32, #tpu.memory_space<vmem>>) target(%dma_start3A_80 : memref<80x128xf32, #tpu.memory_space<vmem_shared>>) target_semaphore(%run_scoped3A : memref<!tpu.dma_semaphore, #tpu.memory_space<semaphore_mem>>)
      %dma_wait3A_81 = arith.constant 0 : i32
      %dma_wait3A_82 = tpu.memref_slice %arg14[%add3A_14, %dma_wait3A_81] : memref<10000x128xf32, #tpu.memory_space<vmem_shared>> -> memref<80x128xf32, #tpu.memory_space<vmem_shared>>
      %dma_wait3A_83 = arith.constant 0 : i32
      %dma_wait3A_84 = tpu.memref_slice %arg14[%add3A_14, %dma_wait3A_83] : memref<10000x128xf32, #tpu.memory_space<vmem_shared>> -> memref<80x128xf32, #tpu.memory_space<vmem_shared>>
      tpu.wait_dma2 semaphore(%run_scoped3A : memref<!tpu.dma_semaphore, #tpu.memory_space<semaphore_mem>>) src(%arg10 : memref<80x128xf32, #tpu.memory_space<vmem>>) dst(%dma_wait3A_84 : memref<80x128xf32, #tpu.memory_space<vmem_shared>>)
      tpu.yield
    }) : () -> ()
    %add3A_15 = arith.constant 240 : i32
    %add3A_16 = arith.addi %mul3A_8, %add3A_15 : i32
    "tpu.region"() ({
      %run_scoped3A = tpu.sem_alloc : memref<!tpu.dma_semaphore, #tpu.memory_space<semaphore_mem>>
      %dma_start3A_77 = arith.constant 0 : i32
      %dma_start3A_78 = tpu.memref_slice %arg14[%add3A_16, %dma_start3A_77] : memref<10000x128xf32, #tpu.memory_space<vmem_shared>> -> memref<80x128xf32, #tpu.memory_space<vmem_shared>>
      %dma_start3A_79 = arith.constant 0 : i32
      %dma_start3A_80 = tpu.memref_slice %arg14[%add3A_16, %dma_start3A_79] : memref<10000x128xf32, #tpu.memory_space<vmem_shared>> -> memref<80x128xf32, #tpu.memory_space<vmem_shared>>
      tpu.enqueue_dma source(%arg10 : memref<80x128xf32, #tpu.memory_space<vmem>>) target(%dma_start3A_80 : memref<80x128xf32, #tpu.memory_space<vmem_shared>>) target_semaphore(%run_scoped3A : memref<!tpu.dma_semaphore, #tpu.memory_space<semaphore_mem>>)
      %dma_wait3A_81 = arith.constant 0 : i32
      %dma_wait3A_82 = tpu.memref_slice %arg14[%add3A_16, %dma_wait3A_81] : memref<10000x128xf32, #tpu.memory_space<vmem_shared>> -> memref<80x128xf32, #tpu.memory_space<vmem_shared>>
      %dma_wait3A_83 = arith.constant 0 : i32
      %dma_wait3A_84 = tpu.memref_slice %arg14[%add3A_16, %dma_wait3A_83] : memref<10000x128xf32, #tpu.memory_space<vmem_shared>> -> memref<80x128xf32, #tpu.memory_space<vmem_shared>>
      tpu.wait_dma2 semaphore(%run_scoped3A : memref<!tpu.dma_semaphore, #tpu.memory_space<semaphore_mem>>) src(%arg10 : memref<80x128xf32, #tpu.memory_space<vmem>>) dst(%dma_wait3A_84 : memref<80x128xf32, #tpu.memory_space<vmem_shared>>)
      tpu.yield
    }) : () -> ()
    %add3A_17 = arith.constant 320 : i32
    %add3A_18 = arith.addi %mul3A_8, %add3A_17 : i32
    "tpu.region"() ({
      %run_scoped3A = tpu.sem_alloc : memref<!tpu.dma_semaphore, #tpu.memory_space<semaphore_mem>>
      %dma_start3A_77 = arith.constant 0 : i32
      %dma_start3A_78 = tpu.memref_slice %arg14[%add3A_18, %dma_start3A_77] : memref<10000x128xf32, #tpu.memory_space<vmem_shared>> -> memref<80x128xf32, #tpu.memory_space<vmem_shared>>
      %dma_start3A_79 = arith.constant 0 : i32
      %dma_start3A_80 = tpu.memref_slice %arg14[%add3A_18, %dma_start3A_79] : memref<10000x128xf32, #tpu.memory_space<vmem_shared>> -> memref<80x128xf32, #tpu.memory_space<vmem_shared>>
      tpu.enqueue_dma source(%arg10 : memref<80x128xf32, #tpu.memory_space<vmem>>) target(%dma_start3A_80 : memref<80x128xf32, #tpu.memory_space<vmem_shared>>) target_semaphore(%run_scoped3A : memref<!tpu.dma_semaphore, #tpu.memory_space<semaphore_mem>>)
      %dma_wait3A_81 = arith.constant 0 : i32
      %dma_wait3A_82 = tpu.memref_slice %arg14[%add3A_18, %dma_wait3A_81] : memref<10000x128xf32, #tpu.memory_space<vmem_shared>> -> memref<80x128xf32, #tpu.memory_space<vmem_shared>>
      %dma_wait3A_83 = arith.constant 0 : i32
      %dma_wait3A_84 = tpu.memref_slice %arg14[%add3A_18, %dma_wait3A_83] : memref<10000x128xf32, #tpu.memory_space<vmem_shared>> -> memref<80x128xf32, #tpu.memory_space<vmem_shared>>
      tpu.wait_dma2 semaphore(%run_scoped3A : memref<!tpu.dma_semaphore, #tpu.memory_space<semaphore_mem>>) src(%arg10 : memref<80x128xf32, #tpu.memory_space<vmem>>) dst(%dma_wait3A_84 : memref<80x128xf32, #tpu.memory_space<vmem_shared>>)
      tpu.yield
    }) : () -> ()
    %add3A_19 = arith.constant 400 : i32
    %add3A_20 = arith.addi %mul3A_8, %add3A_19 : i32
    "tpu.region"() ({
      %run_scoped3A = tpu.sem_alloc : memref<!tpu.dma_semaphore, #tpu.memory_space<semaphore_mem>>
      %dma_start3A_77 = arith.constant 0 : i32
      %dma_start3A_78 = tpu.memref_slice %arg14[%add3A_20, %dma_start3A_77] : memref<10000x128xf32, #tpu.memory_space<vmem_shared>> -> memref<80x128xf32, #tpu.memory_space<vmem_shared>>
      %dma_start3A_79 = arith.constant 0 : i32
      %dma_start3A_80 = tpu.memref_slice %arg14[%add3A_20, %dma_start3A_79] : memref<10000x128xf32, #tpu.memory_space<vmem_shared>> -> memref<80x128xf32, #tpu.memory_space<vmem_shared>>
      tpu.enqueue_dma source(%arg10 : memref<80x128xf32, #tpu.memory_space<vmem>>) target(%dma_start3A_80 : memref<80x128xf32, #tpu.memory_space<vmem_shared>>) target_semaphore(%run_scoped3A : memref<!tpu.dma_semaphore, #tpu.memory_space<semaphore_mem>>)
      %dma_wait3A_81 = arith.constant 0 : i32
      %dma_wait3A_82 = tpu.memref_slice %arg14[%add3A_20, %dma_wait3A_81] : memref<10000x128xf32, #tpu.memory_space<vmem_shared>> -> memref<80x128xf32, #tpu.memory_space<vmem_shared>>
      %dma_wait3A_83 = arith.constant 0 : i32
      %dma_wait3A_84 = tpu.memref_slice %arg14[%add3A_20, %dma_wait3A_83] : memref<10000x128xf32, #tpu.memory_space<vmem_shared>> -> memref<80x128xf32, #tpu.memory_space<vmem_shared>>
      tpu.wait_dma2 semaphore(%run_scoped3A : memref<!tpu.dma_semaphore, #tpu.memory_space<semaphore_mem>>) src(%arg10 : memref<80x128xf32, #tpu.memory_space<vmem>>) dst(%dma_wait3A_84 : memref<80x128xf32, #tpu.memory_space<vmem_shared>>)
      tpu.yield
    }) : () -> ()
    %add3A_21 = arith.constant 480 : i32
    %add3A_22 = arith.addi %mul3A_8, %add3A_21 : i32
    "tpu.region"() ({
      %run_scoped3A = tpu.sem_alloc : memref<!tpu.dma_semaphore, #tpu.memory_space<semaphore_mem>>
      %dma_start3A_77 = arith.constant 0 : i32
      %dma_start3A_78 = tpu.memref_slice %arg14[%add3A_22, %dma_start3A_77] : memref<10000x128xf32, #tpu.memory_space<vmem_shared>> -> memref<80x128xf32, #tpu.memory_space<vmem_shared>>
      %dma_start3A_79 = arith.constant 0 : i32
      %dma_start3A_80 = tpu.memref_slice %arg14[%add3A_22, %dma_start3A_79] : memref<10000x128xf32, #tpu.memory_space<vmem_shared>> -> memref<80x128xf32, #tpu.memory_space<vmem_shared>>
      tpu.enqueue_dma source(%arg10 : memref<80x128xf32, #tpu.memory_space<vmem>>) target(%dma_start3A_80 : memref<80x128xf32, #tpu.memory_space<vmem_shared>>) target_semaphore(%run_scoped3A : memref<!tpu.dma_semaphore, #tpu.memory_space<semaphore_mem>>)
      %dma_wait3A_81 = arith.constant 0 : i32
      %dma_wait3A_82 = tpu.memref_slice %arg14[%add3A_22, %dma_wait3A_81] : memref<10000x128xf32, #tpu.memory_space<vmem_shared>> -> memref<80x128xf32, #tpu.memory_space<vmem_shared>>
      %dma_wait3A_83 = arith.constant 0 : i32
      %dma_wait3A_84 = tpu.memref_slice %arg14[%add3A_22, %dma_wait3A_83] : memref<10000x128xf32, #tpu.memory_space<vmem_shared>> -> memref<80x128xf32, #tpu.memory_space<vmem_shared>>
      tpu.wait_dma2 semaphore(%run_scoped3A : memref<!tpu.dma_semaphore, #tpu.memory_space<semaphore_mem>>) src(%arg10 : memref<80x128xf32, #tpu.memory_space<vmem>>) dst(%dma_wait3A_84 : memref<80x128xf32, #tpu.memory_space<vmem_shared>>)
      tpu.yield
    }) : () -> ()
    %add3A_23 = arith.constant 560 : i32
    %add3A_24 = arith.addi %mul3A_8, %add3A_23 : i32
    "tpu.region"() ({
      %run_scoped3A = tpu.sem_alloc : memref<!tpu.dma_semaphore, #tpu.memory_space<semaphore_mem>>
      %dma_start3A_77 = arith.constant 0 : i32
      %dma_start3A_78 = arith.constant 0 : i32
      %dma_start3A_79 = tpu.memref_slice %arg10[%dma_start3A_77, %dma_start3A_78] : memref<80x128xf32, #tpu.memory_space<vmem>> -> memref<64x128xf32, #tpu.memory_space<vmem>>
      %dma_start3A_80 = arith.constant 0 : i32
      %dma_start3A_81 = tpu.memref_slice %arg14[%add3A_24, %dma_start3A_80] : memref<10000x128xf32, #tpu.memory_space<vmem_shared>> -> memref<64x128xf32, #tpu.memory_space<vmem_shared>>
      %dma_start3A_82 = arith.constant 0 : i32
      %dma_start3A_83 = tpu.memref_slice %arg14[%add3A_24, %dma_start3A_82] : memref<10000x128xf32, #tpu.memory_space<vmem_shared>> -> memref<64x128xf32, #tpu.memory_space<vmem_shared>>
      %dma_start3A_84 = arith.constant 0 : i32
      %dma_start3A_85 = arith.constant 0 : i32
      %dma_start3A_86 = tpu.memref_slice %arg10[%dma_start3A_84, %dma_start3A_85] : memref<80x128xf32, #tpu.memory_space<vmem>> -> memref<64x128xf32, #tpu.memory_space<vmem>>
      tpu.enqueue_dma source(%dma_start3A_86 : memref<64x128xf32, #tpu.memory_space<vmem>>) target(%dma_start3A_83 : memref<64x128xf32, #tpu.memory_space<vmem_shared>>) target_semaphore(%run_scoped3A : memref<!tpu.dma_semaphore, #tpu.memory_space<semaphore_mem>>)
      %dma_wait3A_87 = arith.constant 0 : i32
      %dma_wait3A_88 = arith.constant 0 : i32
      %dma_wait3A_89 = tpu.memref_slice %arg10[%dma_wait3A_87, %dma_wait3A_88] : memref<80x128xf32, #tpu.memory_space<vmem>> -> memref<64x128xf32, #tpu.memory_space<vmem>>
      %dma_wait3A_90 = arith.constant 0 : i32
      %dma_wait3A_91 = tpu.memref_slice %arg14[%add3A_24, %dma_wait3A_90] : memref<10000x128xf32, #tpu.memory_space<vmem_shared>> -> memref<64x128xf32, #tpu.memory_space<vmem_shared>>
      %dma_wait3A_92 = arith.constant 0 : i32
      %dma_wait3A_93 = tpu.memref_slice %arg14[%add3A_24, %dma_wait3A_92] : memref<10000x128xf32, #tpu.memory_space<vmem_shared>> -> memref<64x128xf32, #tpu.memory_space<vmem_shared>>
      %dma_wait3A_94 = arith.constant 0 : i32
      %dma_wait3A_95 = arith.constant 0 : i32
      %dma_wait3A_96 = tpu.memref_slice %arg10[%dma_wait3A_94, %dma_wait3A_95] : memref<80x128xf32, #tpu.memory_space<vmem>> -> memref<64x128xf32, #tpu.memory_space<vmem>>
      tpu.wait_dma2 semaphore(%run_scoped3A : memref<!tpu.dma_semaphore, #tpu.memory_space<semaphore_mem>>) src(%dma_wait3A_96 : memref<64x128xf32, #tpu.memory_space<vmem>>) dst(%dma_wait3A_93 : memref<64x128xf32, #tpu.memory_space<vmem_shared>>)
      tpu.yield
    }) : () -> ()
    %eq3A = arith.constant 15 : i32
    %eq3A_25 = arith.cmpi eq, %arg1, %eq3A : i32
    %convert_element_type3A = arith.extui %eq3A_25 : i1 to i32
    %cond3A = arith.constant 0 : i32
    %cond3A_26 = arith.cmpi ne, %convert_element_type3A, %cond3A : i32
    scf.if %cond3A_26 {
      "tpu.region"() ({
        %run_scoped3A = tpu.sem_alloc : memref<!tpu.dma_semaphore, #tpu.memory_space<semaphore_mem>>
        %dma_start3A_77 = arith.constant 0 : i32
        %dma_start3A_78 = arith.constant 0 : i32
        %dma_start3A_79 = tpu.memref_slice %arg10[%dma_start3A_77, %dma_start3A_78] : memref<80x128xf32, #tpu.memory_space<vmem>> -> memref<16x128xf32, #tpu.memory_space<vmem>>
        %dma_start3A_80 = arith.constant 9984 : i32
        %dma_start3A_81 = arith.constant 0 : i32
        %dma_start3A_82 = tpu.memref_slice %arg14[%dma_start3A_80, %dma_start3A_81] : memref<10000x128xf32, #tpu.memory_space<vmem_shared>> -> memref<16x128xf32, #tpu.memory_space<vmem_shared>>
        %dma_start3A_83 = arith.constant 9984 : i32
        %dma_start3A_84 = arith.constant 0 : i32
        %dma_start3A_85 = tpu.memref_slice %arg14[%dma_start3A_83, %dma_start3A_84] : memref<10000x128xf32, #tpu.memory_space<vmem_shared>> -> memref<16x128xf32, #tpu.memory_space<vmem_shared>>
        %dma_start3A_86 = arith.constant 0 : i32
        %dma_start3A_87 = arith.constant 0 : i32
        %dma_start3A_88 = tpu.memref_slice %arg10[%dma_start3A_86, %dma_start3A_87] : memref<80x128xf32, #tpu.memory_space<vmem>> -> memref<16x128xf32, #tpu.memory_space<vmem>>
        tpu.enqueue_dma source(%dma_start3A_88 : memref<16x128xf32, #tpu.memory_space<vmem>>) target(%dma_start3A_85 : memref<16x128xf32, #tpu.memory_space<vmem_shared>>) target_semaphore(%run_scoped3A : memref<!tpu.dma_semaphore, #tpu.memory_space<semaphore_mem>>)
        %dma_wait3A_89 = arith.constant 0 : i32
        %dma_wait3A_90 = arith.constant 0 : i32
        %dma_wait3A_91 = tpu.memref_slice %arg10[%dma_wait3A_89, %dma_wait3A_90] : memref<80x128xf32, #tpu.memory_space<vmem>> -> memref<16x128xf32, #tpu.memory_space<vmem>>
        %dma_wait3A_92 = arith.constant 9984 : i32
        %dma_wait3A_93 = arith.constant 0 : i32
        %dma_wait3A_94 = tpu.memref_slice %arg14[%dma_wait3A_92, %dma_wait3A_93] : memref<10000x128xf32, #tpu.memory_space<vmem_shared>> -> memref<16x128xf32, #tpu.memory_space<vmem_shared>>
        %dma_wait3A_95 = arith.constant 9984 : i32
        %dma_wait3A_96 = arith.constant 0 : i32
        %dma_wait3A_97 = tpu.memref_slice %arg14[%dma_wait3A_95, %dma_wait3A_96] : memref<10000x128xf32, #tpu.memory_space<vmem_shared>> -> memref<16x128xf32, #tpu.memory_space<vmem_shared>>
        %dma_wait3A_98 = arith.constant 0 : i32
        %dma_wait3A_99 = arith.constant 0 : i32
        %dma_wait3A_100 = tpu.memref_slice %arg10[%dma_wait3A_98, %dma_wait3A_99] : memref<80x128xf32, #tpu.memory_space<vmem>> -> memref<16x128xf32, #tpu.memory_space<vmem>>
        tpu.wait_dma2 semaphore(%run_scoped3A : memref<!tpu.dma_semaphore, #tpu.memory_space<semaphore_mem>>) src(%dma_wait3A_100 : memref<16x128xf32, #tpu.memory_space<vmem>>) dst(%dma_wait3A_97 : memref<16x128xf32, #tpu.memory_space<vmem_shared>>)
        tpu.yield
      }) : () -> ()
    } else {
    }
    %barrier3A = arith.constant 0 : index
    tpu.barrier barrier_id(%barrier3A)
    %mul3A_27 = arith.constant 10000 : i32
    %mul3A_28 = arith.muli %add3A, %mul3A_27 : i32
    %add3A_29 = arith.constant 0 : i32
    %add3A_30 = arith.addi %mul3A_28, %add3A_29 : i32
    %dma_start3A = tpu.memref_slice %arg3[%add3A_30] : memref<320000xi32, #tpu.memory_space<hbm>> -> memref<80xi32, #tpu.memory_space<hbm>>
    %dma_start3A_31 = tpu.memref_slice %arg3[%add3A_30] : memref<320000xi32, #tpu.memory_space<hbm>> -> memref<80xi32, #tpu.memory_space<hbm>>
    tpu.enqueue_dma source(%dma_start3A_31 : memref<80xi32, #tpu.memory_space<hbm>>) target(%arg6 : memref<80xi32, #tpu.memory_space<vmem>>) target_semaphore(%arg19 : memref<!tpu.dma_semaphore, #tpu.memory_space<semaphore_mem>>)
    %dma_start3A_32 = tpu.memref_slice %arg4[%add3A_30] : memref<320000xi32, #tpu.memory_space<hbm>> -> memref<80xi32, #tpu.memory_space<hbm>>
    %dma_start3A_33 = tpu.memref_slice %arg4[%add3A_30] : memref<320000xi32, #tpu.memory_space<hbm>> -> memref<80xi32, #tpu.memory_space<hbm>>
    tpu.enqueue_dma source(%dma_start3A_33 : memref<80xi32, #tpu.memory_space<hbm>>) target(%arg7 : memref<80xi32, #tpu.memory_space<vmem>>) target_semaphore(%arg21 : memref<!tpu.dma_semaphore, #tpu.memory_space<semaphore_mem>>)
    %dma_wait3A = arith.constant 0 : i32
    %dma_wait3A_34 = tpu.memref_slice %arg3[%dma_wait3A] : memref<320000xi32, #tpu.memory_space<hbm>> -> memref<80xi32, #tpu.memory_space<hbm>>
    %dma_wait3A_35 = arith.constant 0 : i32
    %dma_wait3A_36 = tpu.memref_slice %arg3[%dma_wait3A_35] : memref<320000xi32, #tpu.memory_space<hbm>> -> memref<80xi32, #tpu.memory_space<hbm>>
    tpu.wait_dma2 semaphore(%arg19 : memref<!tpu.dma_semaphore, #tpu.memory_space<semaphore_mem>>) src(%dma_wait3A_36 : memref<80xi32, #tpu.memory_space<hbm>>) dst(%arg6 : memref<80xi32, #tpu.memory_space<vmem>>)
    %dma_wait3A_37 = arith.constant 0 : i32
    %dma_wait3A_38 = tpu.memref_slice %arg4[%dma_wait3A_37] : memref<320000xi32, #tpu.memory_space<hbm>> -> memref<80xi32, #tpu.memory_space<hbm>>
    %dma_wait3A_39 = arith.constant 0 : i32
    %dma_wait3A_40 = tpu.memref_slice %arg4[%dma_wait3A_39] : memref<320000xi32, #tpu.memory_space<hbm>> -> memref<80xi32, #tpu.memory_space<hbm>>
    tpu.wait_dma2 semaphore(%arg21 : memref<!tpu.dma_semaphore, #tpu.memory_space<semaphore_mem>>) src(%dma_wait3A_40 : memref<80xi32, #tpu.memory_space<hbm>>) dst(%arg7 : memref<80xi32, #tpu.memory_space<vmem>>)
    %dma_start3A_41 = arith.constant 0 : i32
    %dma_start3A_42 = arith.constant 0 : i32
    %dma_start3A_43 = tpu.memref_slice %arg2[%dma_start3A_41, %dma_start3A_42] : memref<10000x128xf32, #tpu.memory_space<hbm>> -> memref<10000x128xf32, #tpu.memory_space<hbm>>
    tpu.enqueue_indirect_dma source(%dma_start3A_43 : memref<10000x128xf32, #tpu.memory_space<hbm>>) target(%arg10 : memref<80x128xf32, #tpu.memory_space<vmem>>) offsets(%arg6 : memref<80xi32, #tpu.memory_space<vmem>>) semaphore(%arg15 : memref<!tpu.dma_semaphore, #tpu.memory_space<semaphore_mem>>)
    %dma_start3A_44 = arith.constant 0 : i32
    %dma_start3A_45 = arith.constant 0 : i32
    %dma_start3A_46 = tpu.memref_slice %arg2[%dma_start3A_44, %dma_start3A_45] : memref<10000x128xf32, #tpu.memory_space<hbm>> -> memref<10000x128xf32, #tpu.memory_space<hbm>>
    tpu.enqueue_indirect_dma source(%dma_start3A_46 : memref<10000x128xf32, #tpu.memory_space<hbm>>) target(%arg11 : memref<80x128xf32, #tpu.memory_space<vmem>>) offsets(%arg7 : memref<80xi32, #tpu.memory_space<vmem>>) semaphore(%arg16 : memref<!tpu.dma_semaphore, #tpu.memory_space<semaphore_mem>>)
    %add3A_47 = arith.constant 80 : i32
    %add3A_48 = arith.addi %mul3A_28, %add3A_47 : i32
    %dma_start3A_49 = tpu.memref_slice %arg3[%add3A_48] : memref<320000xi32, #tpu.memory_space<hbm>> -> memref<80xi32, #tpu.memory_space<hbm>>
    %dma_start3A_50 = tpu.memref_slice %arg3[%add3A_48] : memref<320000xi32, #tpu.memory_space<hbm>> -> memref<80xi32, #tpu.memory_space<hbm>>
    tpu.enqueue_dma source(%dma_start3A_50 : memref<80xi32, #tpu.memory_space<hbm>>) target(%arg8 : memref<80xi32, #tpu.memory_space<vmem>>) target_semaphore(%arg20 : memref<!tpu.dma_semaphore, #tpu.memory_space<semaphore_mem>>)
    %dma_start3A_51 = tpu.memref_slice %arg4[%add3A_48] : memref<320000xi32, #tpu.memory_space<hbm>> -> memref<80xi32, #tpu.memory_space<hbm>>
    %dma_start3A_52 = tpu.memref_slice %arg4[%add3A_48] : memref<320000xi32, #tpu.memory_space<hbm>> -> memref<80xi32, #tpu.memory_space<hbm>>
    tpu.enqueue_dma source(%dma_start3A_52 : memref<80xi32, #tpu.memory_space<hbm>>) target(%arg9 : memref<80xi32, #tpu.memory_space<vmem>>) target_semaphore(%arg22 : memref<!tpu.dma_semaphore, #tpu.memory_space<semaphore_mem>>)
    %scan3A_53 = arith.constant 0 : i32
    %scan3A_54 = arith.constant 0 : i32
    %scan3A_55 = arith.constant 124 : i32
    %scan3A_56 = arith.addi %scan3A_54, %scan3A_55 : i32
    %scan3A_57 = arith.constant 1 : i32
    %scan3A_58 = scf.for %scan3A_77 = %scan3A_54 to %scan3A_56 step %scan3A_57 iter_args(%scan3A_78 = %scan3A_53) -> (i32)  : i32 {
      %rem3A = arith.constant 2 : i32
      %rem3A_79 = arith.remsi %scan3A_77, %rem3A : i32
      %eq3A_80 = arith.constant 0 : i32
      %eq3A_81 = arith.cmpi eq, %rem3A_79, %eq3A_80 : i32
      %convert_element_type3A_82 = arith.extui %eq3A_81 : i1 to i32
      %cond3A_83 = arith.constant 0 : i32
      %cond3A_84 = arith.cmpi ne, %convert_element_type3A_82, %cond3A_83 : i32
      scf.if %cond3A_84 {
        %dma_wait3A_91 = arith.constant 0 : i32
        %dma_wait3A_92 = tpu.memref_slice %arg3[%dma_wait3A_91] : memref<320000xi32, #tpu.memory_space<hbm>> -> memref<80xi32, #tpu.memory_space<hbm>>
        %dma_wait3A_93 = arith.constant 0 : i32
        %dma_wait3A_94 = tpu.memref_slice %arg3[%dma_wait3A_93] : memref<320000xi32, #tpu.memory_space<hbm>> -> memref<80xi32, #tpu.memory_space<hbm>>
        tpu.wait_dma2 semaphore(%arg20 : memref<!tpu.dma_semaphore, #tpu.memory_space<semaphore_mem>>) src(%dma_wait3A_94 : memref<80xi32, #tpu.memory_space<hbm>>) dst(%arg8 : memref<80xi32, #tpu.memory_space<vmem>>)
        %dma_wait3A_95 = arith.constant 0 : i32
        %dma_wait3A_96 = tpu.memref_slice %arg4[%dma_wait3A_95] : memref<320000xi32, #tpu.memory_space<hbm>> -> memref<80xi32, #tpu.memory_space<hbm>>
        %dma_wait3A_97 = arith.constant 0 : i32
        %dma_wait3A_98 = tpu.memref_slice %arg4[%dma_wait3A_97] : memref<320000xi32, #tpu.memory_space<hbm>> -> memref<80xi32, #tpu.memory_space<hbm>>
        tpu.wait_dma2 semaphore(%arg22 : memref<!tpu.dma_semaphore, #tpu.memory_space<semaphore_mem>>) src(%dma_wait3A_98 : memref<80xi32, #tpu.memory_space<hbm>>) dst(%arg9 : memref<80xi32, #tpu.memory_space<vmem>>)
        %dma_start3A_99 = arith.constant 0 : i32
        %dma_start3A_100 = arith.constant 0 : i32
        %dma_start3A_101 = tpu.memref_slice %arg2[%dma_start3A_99, %dma_start3A_100] : memref<10000x128xf32, #tpu.memory_space<hbm>> -> memref<10000x128xf32, #tpu.memory_space<hbm>>
        tpu.enqueue_indirect_dma source(%dma_start3A_101 : memref<10000x128xf32, #tpu.memory_space<hbm>>) target(%arg12 : memref<80x128xf32, #tpu.memory_space<vmem>>) offsets(%arg8 : memref<80xi32, #tpu.memory_space<vmem>>) semaphore(%arg17 : memref<!tpu.dma_semaphore, #tpu.memory_space<semaphore_mem>>)
        %dma_start3A_102 = arith.constant 0 : i32
        %dma_start3A_103 = arith.constant 0 : i32
        %dma_start3A_104 = tpu.memref_slice %arg2[%dma_start3A_102, %dma_start3A_103] : memref<10000x128xf32, #tpu.memory_space<hbm>> -> memref<10000x128xf32, #tpu.memory_space<hbm>>
        tpu.enqueue_indirect_dma source(%dma_start3A_104 : memref<10000x128xf32, #tpu.memory_space<hbm>>) target(%arg13 : memref<80x128xf32, #tpu.memory_space<vmem>>) offsets(%arg9 : memref<80xi32, #tpu.memory_space<vmem>>) semaphore(%arg18 : memref<!tpu.dma_semaphore, #tpu.memory_space<semaphore_mem>>)
        %dma_wait3A_105 = arith.constant 0 : i32
        %dma_wait3A_106 = arith.constant 0 : i32
        %dma_wait3A_107 = tpu.memref_slice %arg2[%dma_wait3A_105, %dma_wait3A_106] : memref<10000x128xf32, #tpu.memory_space<hbm>> -> memref<10000x128xf32, #tpu.memory_space<hbm>>
        tpu.wait_indirect_dma semaphore(%arg15 : memref<!tpu.dma_semaphore, #tpu.memory_space<semaphore_mem>>) src(%dma_wait3A_107 : memref<10000x128xf32, #tpu.memory_space<hbm>>) dst(%arg10 : memref<80x128xf32, #tpu.memory_space<vmem>>)
        %dma_wait3A_108 = arith.constant 0 : i32
        %dma_wait3A_109 = arith.constant 0 : i32
        %dma_wait3A_110 = tpu.memref_slice %arg2[%dma_wait3A_108, %dma_wait3A_109] : memref<10000x128xf32, #tpu.memory_space<hbm>> -> memref<10000x128xf32, #tpu.memory_space<hbm>>
        tpu.wait_indirect_dma semaphore(%arg16 : memref<!tpu.dma_semaphore, #tpu.memory_space<semaphore_mem>>) src(%dma_wait3A_110 : memref<10000x128xf32, #tpu.memory_space<hbm>>) dst(%arg11 : memref<80x128xf32, #tpu.memory_space<vmem>>)
        %parallel_loop3A_111 = arith.constant 0 : i32
        %parallel_loop3A_112 = arith.constant 80 : i32
        %parallel_loop3A_113 = arith.constant 1 : i32
        scf.for %parallel_loop3A_120 = %parallel_loop3A_111 to %parallel_loop3A_112 step %parallel_loop3A_113  : i32 {
          %parallel_loop3A_121 = arith.index_cast %parallel_loop3A_120 : i32 to index
          %parallel_loop3A_122 = arith.constant 0 : index
          %parallel_loop3A_123 = tpu.vector_load %arg10[%parallel_loop3A_121, %parallel_loop3A_122] {strides = array<i32>} : memref<80x128xf32, #tpu.memory_space<vmem>>, vector<1x16xf32>,
          %parallel_loop3A_124 = vector.shape_cast %parallel_loop3A_123 : vector<1x16xf32> to vector<16xf32>
          %parallel_loop3A_125 = arith.index_cast %parallel_loop3A_120 : i32 to index
          %parallel_loop3A_126 = arith.constant 0 : index
          %parallel_loop3A_127 = tpu.vector_load %arg11[%parallel_loop3A_125, %parallel_loop3A_126] {strides = array<i32>} : memref<80x128xf32, #tpu.memory_space<vmem>>, vector<1x16xf32>,
          %parallel_loop3A_128 = vector.shape_cast %parallel_loop3A_127 : vector<1x16xf32> to vector<16xf32>
          %parallel_loop3A_129 = arith.subf %parallel_loop3A_124, %parallel_loop3A_128 : vector<16xf32>
          %parallel_loop3A_130 = arith.index_cast %parallel_loop3A_120 : i32 to index
          %parallel_loop3A_131 = arith.constant 0 : index
          %parallel_loop3A_132 = tpu.vector_load %arg10[%parallel_loop3A_130, %parallel_loop3A_131] {strides = array<i32>} : memref<80x128xf32, #tpu.memory_space<vmem>>, vector<1x16xf32>,
          %parallel_loop3A_133 = vector.shape_cast %parallel_loop3A_132 : vector<1x16xf32> to vector<16xf32>
          %parallel_loop3A_134 = vector.shape_cast %parallel_loop3A_129 : vector<16xf32> to vector<1x16xf32>
          tpu.vector_store %arg10[%parallel_loop3A_130, %parallel_loop3A_131], %parallel_loop3A_134 {strides = array<i32>} : memref<80x128xf32, #tpu.memory_space<vmem>>, vector<1x16xf32>,
          %parallel_loop3A_135 = arith.index_cast %parallel_loop3A_120 : i32 to index
          %parallel_loop3A_136 = arith.constant 16 : index
          %parallel_loop3A_137 = tpu.vector_load %arg10[%parallel_loop3A_135, %parallel_loop3A_136] {strides = array<i32>} : memref<80x128xf32, #tpu.memory_space<vmem>>, vector<1x16xf32>,
          %parallel_loop3A_138 = vector.shape_cast %parallel_loop3A_137 : vector<1x16xf32> to vector<16xf32>
          %parallel_loop3A_139 = arith.index_cast %parallel_loop3A_120 : i32 to index
          %parallel_loop3A_140 = arith.constant 16 : index
          %parallel_loop3A_141 = tpu.vector_load %arg11[%parallel_loop3A_139, %parallel_loop3A_140] {strides = array<i32>} : memref<80x128xf32, #tpu.memory_space<vmem>>, vector<1x16xf32>,
          %parallel_loop3A_142 = vector.shape_cast %parallel_loop3A_141 : vector<1x16xf32> to vector<16xf32>
          %parallel_loop3A_143 = arith.subf %parallel_loop3A_138, %parallel_loop3A_142 : vector<16xf32>
          %parallel_loop3A_144 = arith.index_cast %parallel_loop3A_120 : i32 to index
          %parallel_loop3A_145 = arith.constant 16 : index
          %parallel_loop3A_146 = tpu.vector_load %arg10[%parallel_loop3A_144, %parallel_loop3A_145] {strides = array<i32>} : memref<80x128xf32, #tpu.memory_space<vmem>>, vector<1x16xf32>,
          %parallel_loop3A_147 = vector.shape_cast %parallel_loop3A_146 : vector<1x16xf32> to vector<16xf32>
          %parallel_loop3A_148 = vector.shape_cast %parallel_loop3A_143 : vector<16xf32> to vector<1x16xf32>
          tpu.vector_store %arg10[%parallel_loop3A_144, %parallel_loop3A_145], %parallel_loop3A_148 {strides = array<i32>} : memref<80x128xf32, #tpu.memory_space<vmem>>, vector<1x16xf32>,
          %parallel_loop3A_149 = arith.index_cast %parallel_loop3A_120 : i32 to index
          %parallel_loop3A_150 = arith.constant 32 : index
          %parallel_loop3A_151 = tpu.vector_load %arg10[%parallel_loop3A_149, %parallel_loop3A_150] {strides = array<i32>} : memref<80x128xf32, #tpu.memory_space<vmem>>, vector<1x16xf32>,
          %parallel_loop3A_152 = vector.shape_cast %parallel_loop3A_151 : vector<1x16xf32> to vector<16xf32>
          %parallel_loop3A_153 = arith.index_cast %parallel_loop3A_120 : i32 to index
          %parallel_loop3A_154 = arith.constant 32 : index
          %parallel_loop3A_155 = tpu.vector_load %arg11[%parallel_loop3A_153, %parallel_loop3A_154] {strides = array<i32>} : memref<80x128xf32, #tpu.memory_space<vmem>>, vector<1x16xf32>,
          %parallel_loop3A_156 = vector.shape_cast %parallel_loop3A_155 : vector<1x16xf32> to vector<16xf32>
          %parallel_loop3A_157 = arith.subf %parallel_loop3A_152, %parallel_loop3A_156 : vector<16xf32>
          %parallel_loop3A_158 = arith.index_cast %parallel_loop3A_120 : i32 to index
          %parallel_loop3A_159 = arith.constant 32 : index
          %parallel_loop3A_160 = tpu.vector_load %arg10[%parallel_loop3A_158, %parallel_loop3A_159] {strides = array<i32>} : memref<80x128xf32, #tpu.memory_space<vmem>>, vector<1x16xf32>,
          %parallel_loop3A_161 = vector.shape_cast %parallel_loop3A_160 : vector<1x16xf32> to vector<16xf32>
          %parallel_loop3A_162 = vector.shape_cast %parallel_loop3A_157 : vector<16xf32> to vector<1x16xf32>
          tpu.vector_store %arg10[%parallel_loop3A_158, %parallel_loop3A_159], %parallel_loop3A_162 {strides = array<i32>} : memref<80x128xf32, #tpu.memory_space<vmem>>, vector<1x16xf32>,
          %parallel_loop3A_163 = arith.index_cast %parallel_loop3A_120 : i32 to index
          %parallel_loop3A_164 = arith.constant 48 : index
          %parallel_loop3A_165 = tpu.vector_load %arg10[%parallel_loop3A_163, %parallel_loop3A_164] {strides = array<i32>} : memref<80x128xf32, #tpu.memory_space<vmem>>, vector<1x16xf32>,
          %parallel_loop3A_166 = vector.shape_cast %parallel_loop3A_165 : vector<1x16xf32> to vector<16xf32>
          %parallel_loop3A_167 = arith.index_cast %parallel_loop3A_120 : i32 to index
          %parallel_loop3A_168 = arith.constant 48 : index
          %parallel_loop3A_169 = tpu.vector_load %arg11[%parallel_loop3A_167, %parallel_loop3A_168] {strides = array<i32>} : memref<80x128xf32, #tpu.memory_space<vmem>>, vector<1x16xf32>,
          %parallel_loop3A_170 = vector.shape_cast %parallel_loop3A_169 : vector<1x16xf32> to vector<16xf32>
          %parallel_loop3A_171 = arith.subf %parallel_loop3A_166, %parallel_loop3A_170 : vector<16xf32>
          %parallel_loop3A_172 = arith.index_cast %parallel_loop3A_120 : i32 to index
          %parallel_loop3A_173 = arith.constant 48 : index
          %parallel_loop3A_174 = tpu.vector_load %arg10[%parallel_loop3A_172, %parallel_loop3A_173] {strides = array<i32>} : memref<80x128xf32, #tpu.memory_space<vmem>>, vector<1x16xf32>,
          %parallel_loop3A_175 = vector.shape_cast %parallel_loop3A_174 : vector<1x16xf32> to vector<16xf32>
          %parallel_loop3A_176 = vector.shape_cast %parallel_loop3A_171 : vector<16xf32> to vector<1x16xf32>
          tpu.vector_store %arg10[%parallel_loop3A_172, %parallel_loop3A_173], %parallel_loop3A_176 {strides = array<i32>} : memref<80x128xf32, #tpu.memory_space<vmem>>, vector<1x16xf32>,
          %parallel_loop3A_177 = arith.index_cast %parallel_loop3A_120 : i32 to index
          %parallel_loop3A_178 = arith.constant 64 : index
          %parallel_loop3A_179 = tpu.vector_load %arg10[%parallel_loop3A_177, %parallel_loop3A_178] {strides = array<i32>} : memref<80x128xf32, #tpu.memory_space<vmem>>, vector<1x16xf32>,
          %parallel_loop3A_180 = vector.shape_cast %parallel_loop3A_179 : vector<1x16xf32> to vector<16xf32>
          %parallel_loop3A_181 = arith.index_cast %parallel_loop3A_120 : i32 to index
          %parallel_loop3A_182 = arith.constant 64 : index
          %parallel_loop3A_183 = tpu.vector_load %arg11[%parallel_loop3A_181, %parallel_loop3A_182] {strides = array<i32>} : memref<80x128xf32, #tpu.memory_space<vmem>>, vector<1x16xf32>,
          %parallel_loop3A_184 = vector.shape_cast %parallel_loop3A_183 : vector<1x16xf32> to vector<16xf32>
          %parallel_loop3A_185 = arith.subf %parallel_loop3A_180, %parallel_loop3A_184 : vector<16xf32>
          %parallel_loop3A_186 = arith.index_cast %parallel_loop3A_120 : i32 to index
          %parallel_loop3A_187 = arith.constant 64 : index
          %parallel_loop3A_188 = tpu.vector_load %arg10[%parallel_loop3A_186, %parallel_loop3A_187] {strides = array<i32>} : memref<80x128xf32, #tpu.memory_space<vmem>>, vector<1x16xf32>,
          %parallel_loop3A_189 = vector.shape_cast %parallel_loop3A_188 : vector<1x16xf32> to vector<16xf32>
          %parallel_loop3A_190 = vector.shape_cast %parallel_loop3A_185 : vector<16xf32> to vector<1x16xf32>
          tpu.vector_store %arg10[%parallel_loop3A_186, %parallel_loop3A_187], %parallel_loop3A_190 {strides = array<i32>} : memref<80x128xf32, #tpu.memory_space<vmem>>, vector<1x16xf32>,
          %parallel_loop3A_191 = arith.index_cast %parallel_loop3A_120 : i32 to index
          %parallel_loop3A_192 = arith.constant 80 : index
          %parallel_loop3A_193 = tpu.vector_load %arg10[%parallel_loop3A_191, %parallel_loop3A_192] {strides = array<i32>} : memref<80x128xf32, #tpu.memory_space<vmem>>, vector<1x16xf32>,
          %parallel_loop3A_194 = vector.shape_cast %parallel_loop3A_193 : vector<1x16xf32> to vector<16xf32>
          %parallel_loop3A_195 = arith.index_cast %parallel_loop3A_120 : i32 to index
          %parallel_loop3A_196 = arith.constant 80 : index
          %parallel_loop3A_197 = tpu.vector_load %arg11[%parallel_loop3A_195, %parallel_loop3A_196] {strides = array<i32>} : memref<80x128xf32, #tpu.memory_space<vmem>>, vector<1x16xf32>,
          %parallel_loop3A_198 = vector.shape_cast %parallel_loop3A_197 : vector<1x16xf32> to vector<16xf32>
          %parallel_loop3A_199 = arith.subf %parallel_loop3A_194, %parallel_loop3A_198 : vector<16xf32>
          %parallel_loop3A_200 = arith.index_cast %parallel_loop3A_120 : i32 to index
          %parallel_loop3A_201 = arith.constant 80 : index
          %parallel_loop3A_202 = tpu.vector_load %arg10[%parallel_loop3A_200, %parallel_loop3A_201] {strides = array<i32>} : memref<80x128xf32, #tpu.memory_space<vmem>>, vector<1x16xf32>,
          %parallel_loop3A_203 = vector.shape_cast %parallel_loop3A_202 : vector<1x16xf32> to vector<16xf32>
          %parallel_loop3A_204 = vector.shape_cast %parallel_loop3A_199 : vector<16xf32> to vector<1x16xf32>
          tpu.vector_store %arg10[%parallel_loop3A_200, %parallel_loop3A_201], %parallel_loop3A_204 {strides = array<i32>} : memref<80x128xf32, #tpu.memory_space<vmem>>, vector<1x16xf32>,
          %parallel_loop3A_205 = arith.index_cast %parallel_loop3A_120 : i32 to index
          %parallel_loop3A_206 = arith.constant 96 : index
          %parallel_loop3A_207 = tpu.vector_load %arg10[%parallel_loop3A_205, %parallel_loop3A_206] {strides = array<i32>} : memref<80x128xf32, #tpu.memory_space<vmem>>, vector<1x16xf32>,
          %parallel_loop3A_208 = vector.shape_cast %parallel_loop3A_207 : vector<1x16xf32> to vector<16xf32>
          %parallel_loop3A_209 = arith.index_cast %parallel_loop3A_120 : i32 to index
          %parallel_loop3A_210 = arith.constant 96 : index
          %parallel_loop3A_211 = tpu.vector_load %arg11[%parallel_loop3A_209, %parallel_loop3A_210] {strides = array<i32>} : memref<80x128xf32, #tpu.memory_space<vmem>>, vector<1x16xf32>,
          %parallel_loop3A_212 = vector.shape_cast %parallel_loop3A_211 : vector<1x16xf32> to vector<16xf32>
          %parallel_loop3A_213 = arith.subf %parallel_loop3A_208, %parallel_loop3A_212 : vector<16xf32>
          %parallel_loop3A_214 = arith.index_cast %parallel_loop3A_120 : i32 to index
          %parallel_loop3A_215 = arith.constant 96 : index
          %parallel_loop3A_216 = tpu.vector_load %arg10[%parallel_loop3A_214, %parallel_loop3A_215] {strides = array<i32>} : memref<80x128xf32, #tpu.memory_space<vmem>>, vector<1x16xf32>,
          %parallel_loop3A_217 = vector.shape_cast %parallel_loop3A_216 : vector<1x16xf32> to vector<16xf32>
          %parallel_loop3A_218 = vector.shape_cast %parallel_loop3A_213 : vector<16xf32> to vector<1x16xf32>
          tpu.vector_store %arg10[%parallel_loop3A_214, %parallel_loop3A_215], %parallel_loop3A_218 {strides = array<i32>} : memref<80x128xf32, #tpu.memory_space<vmem>>, vector<1x16xf32>,
          %parallel_loop3A_219 = arith.index_cast %parallel_loop3A_120 : i32 to index
          %parallel_loop3A_220 = arith.constant 112 : index
          %parallel_loop3A_221 = tpu.vector_load %arg10[%parallel_loop3A_219, %parallel_loop3A_220] {strides = array<i32>} : memref<80x128xf32, #tpu.memory_space<vmem>>, vector<1x16xf32>,
          %parallel_loop3A_222 = vector.shape_cast %parallel_loop3A_221 : vector<1x16xf32> to vector<16xf32>
          %parallel_loop3A_223 = arith.index_cast %parallel_loop3A_120 : i32 to index
          %parallel_loop3A_224 = arith.constant 112 : index
          %parallel_loop3A_225 = tpu.vector_load %arg11[%parallel_loop3A_223, %parallel_loop3A_224] {strides = array<i32>} : memref<80x128xf32, #tpu.memory_space<vmem>>, vector<1x16xf32>,
          %parallel_loop3A_226 = vector.shape_cast %parallel_loop3A_225 : vector<1x16xf32> to vector<16xf32>
          %parallel_loop3A_227 = arith.subf %parallel_loop3A_222, %parallel_loop3A_226 : vector<16xf32>
          %parallel_loop3A_228 = arith.index_cast %parallel_loop3A_120 : i32 to index
          %parallel_loop3A_229 = arith.constant 112 : index
          %parallel_loop3A_230 = tpu.vector_load %arg10[%parallel_loop3A_228, %parallel_loop3A_229] {strides = array<i32>} : memref<80x128xf32, #tpu.memory_space<vmem>>, vector<1x16xf32>,
          %parallel_loop3A_231 = vector.shape_cast %parallel_loop3A_230 : vector<1x16xf32> to vector<16xf32>
          %parallel_loop3A_232 = vector.shape_cast %parallel_loop3A_227 : vector<16xf32> to vector<1x16xf32>
          tpu.vector_store %arg10[%parallel_loop3A_228, %parallel_loop3A_229], %parallel_loop3A_232 {strides = array<i32>} : memref<80x128xf32, #tpu.memory_space<vmem>>, vector<1x16xf32>,
        } {sc.loop_unroll_factor = 4 : i64, sc.parallel_access}
        "tpu.region"() ({
          %run_scoped3A = tpu.sem_alloc : memref<!tpu.dma_semaphore, #tpu.memory_space<semaphore_mem>>
          %dma_start3A_120 = arith.constant 0 : i32
          %dma_start3A_121 = arith.constant 0 : i32
          %dma_start3A_122 = tpu.memref_slice %arg14[%dma_start3A_120, %dma_start3A_121] : memref<10000x128xf32, #tpu.memory_space<vmem_shared>> -> memref<10000x128xf32, #tpu.memory_space<vmem_shared>>
          tpu.enqueue_indirect_dma source(%arg10 : memref<80x128xf32, #tpu.memory_space<vmem>>) target(%dma_start3A_122 : memref<10000x128xf32, #tpu.memory_space<vmem_shared>>) offsets(%arg7 : memref<80xi32, #tpu.memory_space<vmem>>) semaphore(%run_scoped3A : memref<!tpu.dma_semaphore, #tpu.memory_space<semaphore_mem>>) {add = true}
          %dma_wait3A_123 = arith.constant 0 : i32
          %dma_wait3A_124 = arith.constant 0 : i32
          %dma_wait3A_125 = tpu.memref_slice %arg14[%dma_wait3A_123, %dma_wait3A_124] : memref<10000x128xf32, #tpu.memory_space<vmem_shared>> -> memref<10000x128xf32, #tpu.memory_space<vmem_shared>>
          tpu.wait_indirect_dma semaphore(%run_scoped3A : memref<!tpu.dma_semaphore, #tpu.memory_space<semaphore_mem>>) src(%arg10 : memref<80x128xf32, #tpu.memory_space<vmem>>) dst(%dma_wait3A_125 : memref<10000x128xf32, #tpu.memory_space<vmem_shared>>)
          tpu.yield
        }) : () -> ()
        %add3A_114 = arith.constant 2 : i32
        %add3A_115 = arith.addi %scan3A_77, %add3A_114 : i32
        %lt3A = arith.constant 125 : i32
        %lt3A_116 = arith.cmpi slt, %add3A_115, %lt3A : i32
        %convert_element_type3A_117 = arith.extui %lt3A_116 : i1 to i32
        %cond3A_118 = arith.constant 0 : i32
        %cond3A_119 = arith.cmpi ne, %convert_element_type3A_117, %cond3A_118 : i32
        scf.if %cond3A_119 {
          %add3A_120 = arith.constant 2 : i32
          %add3A_121 = arith.addi %scan3A_77, %add3A_120 : i32
          %mul3A_122 = arith.constant 80 : i32
          %mul3A_123 = arith.muli %add3A_121, %mul3A_122 : i32
          %add3A_124 = arith.addi %mul3A_28, %mul3A_123 : i32
          %dma_start3A_125 = tpu.memref_slice %arg3[%add3A_124] : memref<320000xi32, #tpu.memory_space<hbm>> -> memref<80xi32, #tpu.memory_space<hbm>>
          %dma_start3A_126 = tpu.memref_slice %arg3[%add3A_124] : memref<320000xi32, #tpu.memory_space<hbm>> -> memref<80xi32, #tpu.memory_space<hbm>>
          tpu.enqueue_dma source(%dma_start3A_126 : memref<80xi32, #tpu.memory_space<hbm>>) target(%arg6 : memref<80xi32, #tpu.memory_space<vmem>>) target_semaphore(%arg19 : memref<!tpu.dma_semaphore, #tpu.memory_space<semaphore_mem>>)
          %dma_start3A_127 = tpu.memref_slice %arg4[%add3A_124] : memref<320000xi32, #tpu.memory_space<hbm>> -> memref<80xi32, #tpu.memory_space<hbm>>
          %dma_start3A_128 = tpu.memref_slice %arg4[%add3A_124] : memref<320000xi32, #tpu.memory_space<hbm>> -> memref<80xi32, #tpu.memory_space<hbm>>
          tpu.enqueue_dma source(%dma_start3A_128 : memref<80xi32, #tpu.memory_space<hbm>>) target(%arg7 : memref<80xi32, #tpu.memory_space<vmem>>) target_semaphore(%arg21 : memref<!tpu.dma_semaphore, #tpu.memory_space<semaphore_mem>>)
        } else {
        }
      } else {
      }
      %eq3A_85 = arith.constant 1 : i32
      %eq3A_86 = arith.cmpi eq, %rem3A_79, %eq3A_85 : i32
      %convert_element_type3A_87 = arith.extui %eq3A_86 : i1 to i32
      %cond3A_88 = arith.constant 0 : i32
      %cond3A_89 = arith.cmpi ne, %convert_element_type3A_87, %cond3A_88 : i32
      scf.if %cond3A_89 {
        %dma_wait3A_91 = arith.constant 0 : i32
        %dma_wait3A_92 = tpu.memref_slice %arg3[%dma_wait3A_91] : memref<320000xi32, #tpu.memory_space<hbm>> -> memref<80xi32, #tpu.memory_space<hbm>>
        %dma_wait3A_93 = arith.constant 0 : i32
        %dma_wait3A_94 = tpu.memref_slice %arg3[%dma_wait3A_93] : memref<320000xi32, #tpu.memory_space<hbm>> -> memref<80xi32, #tpu.memory_space<hbm>>
        tpu.wait_dma2 semaphore(%arg19 : memref<!tpu.dma_semaphore, #tpu.memory_space<semaphore_mem>>) src(%dma_wait3A_94 : memref<80xi32, #tpu.memory_space<hbm>>) dst(%arg6 : memref<80xi32, #tpu.memory_space<vmem>>)
        %dma_wait3A_95 = arith.constant 0 : i32
        %dma_wait3A_96 = tpu.memref_slice %arg4[%dma_wait3A_95] : memref<320000xi32, #tpu.memory_space<hbm>> -> memref<80xi32, #tpu.memory_space<hbm>>
        %dma_wait3A_97 = arith.constant 0 : i32
        %dma_wait3A_98 = tpu.memref_slice %arg4[%dma_wait3A_97] : memref<320000xi32, #tpu.memory_space<hbm>> -> memref<80xi32, #tpu.memory_space<hbm>>
        tpu.wait_dma2 semaphore(%arg21 : memref<!tpu.dma_semaphore, #tpu.memory_space<semaphore_mem>>) src(%dma_wait3A_98 : memref<80xi32, #tpu.memory_space<hbm>>) dst(%arg7 : memref<80xi32, #tpu.memory_space<vmem>>)
        %dma_start3A_99 = arith.constant 0 : i32
        %dma_start3A_100 = arith.constant 0 : i32
        %dma_start3A_101 = tpu.memref_slice %arg2[%dma_start3A_99, %dma_start3A_100] : memref<10000x128xf32, #tpu.memory_space<hbm>> -> memref<10000x128xf32, #tpu.memory_space<hbm>>
        tpu.enqueue_indirect_dma source(%dma_start3A_101 : memref<10000x128xf32, #tpu.memory_space<hbm>>) target(%arg10 : memref<80x128xf32, #tpu.memory_space<vmem>>) offsets(%arg6 : memref<80xi32, #tpu.memory_space<vmem>>) semaphore(%arg15 : memref<!tpu.dma_semaphore, #tpu.memory_space<semaphore_mem>>)
        %dma_start3A_102 = arith.constant 0 : i32
        %dma_start3A_103 = arith.constant 0 : i32
        %dma_start3A_104 = tpu.memref_slice %arg2[%dma_start3A_102, %dma_start3A_103] : memref<10000x128xf32, #tpu.memory_space<hbm>> -> memref<10000x128xf32, #tpu.memory_space<hbm>>
        tpu.enqueue_indirect_dma source(%dma_start3A_104 : memref<10000x128xf32, #tpu.memory_space<hbm>>) target(%arg11 : memref<80x128xf32, #tpu.memory_space<vmem>>) offsets(%arg7 : memref<80xi32, #tpu.memory_space<vmem>>) semaphore(%arg16 : memref<!tpu.dma_semaphore, #tpu.memory_space<semaphore_mem>>)
        %dma_wait3A_105 = arith.constant 0 : i32
        %dma_wait3A_106 = arith.constant 0 : i32
        %dma_wait3A_107 = tpu.memref_slice %arg2[%dma_wait3A_105, %dma_wait3A_106] : memref<10000x128xf32, #tpu.memory_space<hbm>> -> memref<10000x128xf32, #tpu.memory_space<hbm>>
        tpu.wait_indirect_dma semaphore(%arg17 : memref<!tpu.dma_semaphore, #tpu.memory_space<semaphore_mem>>) src(%dma_wait3A_107 : memref<10000x128xf32, #tpu.memory_space<hbm>>) dst(%arg12 : memref<80x128xf32, #tpu.memory_space<vmem>>)
        %dma_wait3A_108 = arith.constant 0 : i32
        %dma_wait3A_109 = arith.constant 0 : i32
        %dma_wait3A_110 = tpu.memref_slice %arg2[%dma_wait3A_108, %dma_wait3A_109] : memref<10000x128xf32, #tpu.memory_space<hbm>> -> memref<10000x128xf32, #tpu.memory_space<hbm>>
        tpu.wait_indirect_dma semaphore(%arg18 : memref<!tpu.dma_semaphore, #tpu.memory_space<semaphore_mem>>) src(%dma_wait3A_110 : memref<10000x128xf32, #tpu.memory_space<hbm>>) dst(%arg13 : memref<80x128xf32, #tpu.memory_space<vmem>>)
        %parallel_loop3A_111 = arith.constant 0 : i32
        %parallel_loop3A_112 = arith.constant 80 : i32
        %parallel_loop3A_113 = arith.constant 1 : i32
        scf.for %parallel_loop3A_120 = %parallel_loop3A_111 to %parallel_loop3A_112 step %parallel_loop3A_113  : i32 {
          %parallel_loop3A_121 = arith.index_cast %parallel_loop3A_120 : i32 to index
          %parallel_loop3A_122 = arith.constant 0 : index
          %parallel_loop3A_123 = tpu.vector_load %arg12[%parallel_loop3A_121, %parallel_loop3A_122] {strides = array<i32>} : memref<80x128xf32, #tpu.memory_space<vmem>>, vector<1x16xf32>,
          %parallel_loop3A_124 = vector.shape_cast %parallel_loop3A_123 : vector<1x16xf32> to vector<16xf32>
          %parallel_loop3A_125 = arith.index_cast %parallel_loop3A_120 : i32 to index
          %parallel_loop3A_126 = arith.constant 0 : index
          %parallel_loop3A_127 = tpu.vector_load %arg13[%parallel_loop3A_125, %parallel_loop3A_126] {strides = array<i32>} : memref<80x128xf32, #tpu.memory_space<vmem>>, vector<1x16xf32>,
          %parallel_loop3A_128 = vector.shape_cast %parallel_loop3A_127 : vector<1x16xf32> to vector<16xf32>
          %parallel_loop3A_129 = arith.subf %parallel_loop3A_124, %parallel_loop3A_128 : vector<16xf32>
          %parallel_loop3A_130 = arith.index_cast %parallel_loop3A_120 : i32 to index
          %parallel_loop3A_131 = arith.constant 0 : index
          %parallel_loop3A_132 = tpu.vector_load %arg12[%parallel_loop3A_130, %parallel_loop3A_131] {strides = array<i32>} : memref<80x128xf32, #tpu.memory_space<vmem>>, vector<1x16xf32>,
          %parallel_loop3A_133 = vector.shape_cast %parallel_loop3A_132 : vector<1x16xf32> to vector<16xf32>
          %parallel_loop3A_134 = vector.shape_cast %parallel_loop3A_129 : vector<16xf32> to vector<1x16xf32>
          tpu.vector_store %arg12[%parallel_loop3A_130, %parallel_loop3A_131], %parallel_loop3A_134 {strides = array<i32>} : memref<80x128xf32, #tpu.memory_space<vmem>>, vector<1x16xf32>,
          %parallel_loop3A_135 = arith.index_cast %parallel_loop3A_120 : i32 to index
          %parallel_loop3A_136 = arith.constant 16 : index
          %parallel_loop3A_137 = tpu.vector_load %arg12[%parallel_loop3A_135, %parallel_loop3A_136] {strides = array<i32>} : memref<80x128xf32, #tpu.memory_space<vmem>>, vector<1x16xf32>,
          %parallel_loop3A_138 = vector.shape_cast %parallel_loop3A_137 : vector<1x16xf32> to vector<16xf32>
          %parallel_loop3A_139 = arith.index_cast %parallel_loop3A_120 : i32 to index
          %parallel_loop3A_140 = arith.constant 16 : index
          %parallel_loop3A_141 = tpu.vector_load %arg13[%parallel_loop3A_139, %parallel_loop3A_140] {strides = array<i32>} : memref<80x128xf32, #tpu.memory_space<vmem>>, vector<1x16xf32>,
          %parallel_loop3A_142 = vector.shape_cast %parallel_loop3A_141 : vector<1x16xf32> to vector<16xf32>
          %parallel_loop3A_143 = arith.subf %parallel_loop3A_138, %parallel_loop3A_142 : vector<16xf32>
          %parallel_loop3A_144 = arith.index_cast %parallel_loop3A_120 : i32 to index
          %parallel_loop3A_145 = arith.constant 16 : index
          %parallel_loop3A_146 = tpu.vector_load %arg12[%parallel_loop3A_144, %parallel_loop3A_145] {strides = array<i32>} : memref<80x128xf32, #tpu.memory_space<vmem>>, vector<1x16xf32>,
          %parallel_loop3A_147 = vector.shape_cast %parallel_loop3A_146 : vector<1x16xf32> to vector<16xf32>
          %parallel_loop3A_148 = vector.shape_cast %parallel_loop3A_143 : vector<16xf32> to vector<1x16xf32>
          tpu.vector_store %arg12[%parallel_loop3A_144, %parallel_loop3A_145], %parallel_loop3A_148 {strides = array<i32>} : memref<80x128xf32, #tpu.memory_space<vmem>>, vector<1x16xf32>,
          %parallel_loop3A_149 = arith.index_cast %parallel_loop3A_120 : i32 to index
          %parallel_loop3A_150 = arith.constant 32 : index
          %parallel_loop3A_151 = tpu.vector_load %arg12[%parallel_loop3A_149, %parallel_loop3A_150] {strides = array<i32>} : memref<80x128xf32, #tpu.memory_space<vmem>>, vector<1x16xf32>,
          %parallel_loop3A_152 = vector.shape_cast %parallel_loop3A_151 : vector<1x16xf32> to vector<16xf32>
          %parallel_loop3A_153 = arith.index_cast %parallel_loop3A_120 : i32 to index
          %parallel_loop3A_154 = arith.constant 32 : index
          %parallel_loop3A_155 = tpu.vector_load %arg13[%parallel_loop3A_153, %parallel_loop3A_154] {strides = array<i32>} : memref<80x128xf32, #tpu.memory_space<vmem>>, vector<1x16xf32>,
          %parallel_loop3A_156 = vector.shape_cast %parallel_loop3A_155 : vector<1x16xf32> to vector<16xf32>
          %parallel_loop3A_157 = arith.subf %parallel_loop3A_152, %parallel_loop3A_156 : vector<16xf32>
          %parallel_loop3A_158 = arith.index_cast %parallel_loop3A_120 : i32 to index
          %parallel_loop3A_159 = arith.constant 32 : index
          %parallel_loop3A_160 = tpu.vector_load %arg12[%parallel_loop3A_158, %parallel_loop3A_159] {strides = array<i32>} : memref<80x128xf32, #tpu.memory_space<vmem>>, vector<1x16xf32>,
          %parallel_loop3A_161 = vector.shape_cast %parallel_loop3A_160 : vector<1x16xf32> to vector<16xf32>
          %parallel_loop3A_162 = vector.shape_cast %parallel_loop3A_157 : vector<16xf32> to vector<1x16xf32>
          tpu.vector_store %arg12[%parallel_loop3A_158, %parallel_loop3A_159], %parallel_loop3A_162 {strides = array<i32>} : memref<80x128xf32, #tpu.memory_space<vmem>>, vector<1x16xf32>,
          %parallel_loop3A_163 = arith.index_cast %parallel_loop3A_120 : i32 to index
          %parallel_loop3A_164 = arith.constant 48 : index
          %parallel_loop3A_165 = tpu.vector_load %arg12[%parallel_loop3A_163, %parallel_loop3A_164] {strides = array<i32>} : memref<80x128xf32, #tpu.memory_space<vmem>>, vector<1x16xf32>,
          %parallel_loop3A_166 = vector.shape_cast %parallel_loop3A_165 : vector<1x16xf32> to vector<16xf32>
          %parallel_loop3A_167 = arith.index_cast %parallel_loop3A_120 : i32 to index
          %parallel_loop3A_168 = arith.constant 48 : index
          %parallel_loop3A_169 = tpu.vector_load %arg13[%parallel_loop3A_167, %parallel_loop3A_168] {strides = array<i32>} : memref<80x128xf32, #tpu.memory_space<vmem>>, vector<1x16xf32>,
          %parallel_loop3A_170 = vector.shape_cast %parallel_loop3A_169 : vector<1x16xf32> to vector<16xf32>
          %parallel_loop3A_171 = arith.subf %parallel_loop3A_166, %parallel_loop3A_170 : vector<16xf32>
          %parallel_loop3A_172 = arith.index_cast %parallel_loop3A_120 : i32 to index
          %parallel_loop3A_173 = arith.constant 48 : index
          %parallel_loop3A_174 = tpu.vector_load %arg12[%parallel_loop3A_172, %parallel_loop3A_173] {strides = array<i32>} : memref<80x128xf32, #tpu.memory_space<vmem>>, vector<1x16xf32>,
          %parallel_loop3A_175 = vector.shape_cast %parallel_loop3A_174 : vector<1x16xf32> to vector<16xf32>
          %parallel_loop3A_176 = vector.shape_cast %parallel_loop3A_171 : vector<16xf32> to vector<1x16xf32>
          tpu.vector_store %arg12[%parallel_loop3A_172, %parallel_loop3A_173], %parallel_loop3A_176 {strides = array<i32>} : memref<80x128xf32, #tpu.memory_space<vmem>>, vector<1x16xf32>,
          %parallel_loop3A_177 = arith.index_cast %parallel_loop3A_120 : i32 to index
          %parallel_loop3A_178 = arith.constant 64 : index
          %parallel_loop3A_179 = tpu.vector_load %arg12[%parallel_loop3A_177, %parallel_loop3A_178] {strides = array<i32>} : memref<80x128xf32, #tpu.memory_space<vmem>>, vector<1x16xf32>,
          %parallel_loop3A_180 = vector.shape_cast %parallel_loop3A_179 : vector<1x16xf32> to vector<16xf32>
          %parallel_loop3A_181 = arith.index_cast %parallel_loop3A_120 : i32 to index
          %parallel_loop3A_182 = arith.constant 64 : index
          %parallel_loop3A_183 = tpu.vector_load %arg13[%parallel_loop3A_181, %parallel_loop3A_182] {strides = array<i32>} : memref<80x128xf32, #tpu.memory_space<vmem>>, vector<1x16xf32>,
          %parallel_loop3A_184 = vector.shape_cast %parallel_loop3A_183 : vector<1x16xf32> to vector<16xf32>
          %parallel_loop3A_185 = arith.subf %parallel_loop3A_180, %parallel_loop3A_184 : vector<16xf32>
          %parallel_loop3A_186 = arith.index_cast %parallel_loop3A_120 : i32 to index
          %parallel_loop3A_187 = arith.constant 64 : index
          %parallel_loop3A_188 = tpu.vector_load %arg12[%parallel_loop3A_186, %parallel_loop3A_187] {strides = array<i32>} : memref<80x128xf32, #tpu.memory_space<vmem>>, vector<1x16xf32>,
          %parallel_loop3A_189 = vector.shape_cast %parallel_loop3A_188 : vector<1x16xf32> to vector<16xf32>
          %parallel_loop3A_190 = vector.shape_cast %parallel_loop3A_185 : vector<16xf32> to vector<1x16xf32>
          tpu.vector_store %arg12[%parallel_loop3A_186, %parallel_loop3A_187], %parallel_loop3A_190 {strides = array<i32>} : memref<80x128xf32, #tpu.memory_space<vmem>>, vector<1x16xf32>,
          %parallel_loop3A_191 = arith.index_cast %parallel_loop3A_120 : i32 to index
          %parallel_loop3A_192 = arith.constant 80 : index
          %parallel_loop3A_193 = tpu.vector_load %arg12[%parallel_loop3A_191, %parallel_loop3A_192] {strides = array<i32>} : memref<80x128xf32, #tpu.memory_space<vmem>>, vector<1x16xf32>,
          %parallel_loop3A_194 = vector.shape_cast %parallel_loop3A_193 : vector<1x16xf32> to vector<16xf32>
          %parallel_loop3A_195 = arith.index_cast %parallel_loop3A_120 : i32 to index
          %parallel_loop3A_196 = arith.constant 80 : index
          %parallel_loop3A_197 = tpu.vector_load %arg13[%parallel_loop3A_195, %parallel_loop3A_196] {strides = array<i32>} : memref<80x128xf32, #tpu.memory_space<vmem>>, vector<1x16xf32>,
          %parallel_loop3A_198 = vector.shape_cast %parallel_loop3A_197 : vector<1x16xf32> to vector<16xf32>
          %parallel_loop3A_199 = arith.subf %parallel_loop3A_194, %parallel_loop3A_198 : vector<16xf32>
          %parallel_loop3A_200 = arith.index_cast %parallel_loop3A_120 : i32 to index
          %parallel_loop3A_201 = arith.constant 80 : index
          %parallel_loop3A_202 = tpu.vector_load %arg12[%parallel_loop3A_200, %parallel_loop3A_201] {strides = array<i32>} : memref<80x128xf32, #tpu.memory_space<vmem>>, vector<1x16xf32>,
          %parallel_loop3A_203 = vector.shape_cast %parallel_loop3A_202 : vector<1x16xf32> to vector<16xf32>
          %parallel_loop3A_204 = vector.shape_cast %parallel_loop3A_199 : vector<16xf32> to vector<1x16xf32>
          tpu.vector_store %arg12[%parallel_loop3A_200, %parallel_loop3A_201], %parallel_loop3A_204 {strides = array<i32>} : memref<80x128xf32, #tpu.memory_space<vmem>>, vector<1x16xf32>,
          %parallel_loop3A_205 = arith.index_cast %parallel_loop3A_120 : i32 to index
          %parallel_loop3A_206 = arith.constant 96 : index
          %parallel_loop3A_207 = tpu.vector_load %arg12[%parallel_loop3A_205, %parallel_loop3A_206] {strides = array<i32>} : memref<80x128xf32, #tpu.memory_space<vmem>>, vector<1x16xf32>,
          %parallel_loop3A_208 = vector.shape_cast %parallel_loop3A_207 : vector<1x16xf32> to vector<16xf32>
          %parallel_loop3A_209 = arith.index_cast %parallel_loop3A_120 : i32 to index
          %parallel_loop3A_210 = arith.constant 96 : index
          %parallel_loop3A_211 = tpu.vector_load %arg13[%parallel_loop3A_209, %parallel_loop3A_210] {strides = array<i32>} : memref<80x128xf32, #tpu.memory_space<vmem>>, vector<1x16xf32>,
          %parallel_loop3A_212 = vector.shape_cast %parallel_loop3A_211 : vector<1x16xf32> to vector<16xf32>
          %parallel_loop3A_213 = arith.subf %parallel_loop3A_208, %parallel_loop3A_212 : vector<16xf32>
          %parallel_loop3A_214 = arith.index_cast %parallel_loop3A_120 : i32 to index
          %parallel_loop3A_215 = arith.constant 96 : index
          %parallel_loop3A_216 = tpu.vector_load %arg12[%parallel_loop3A_214, %parallel_loop3A_215] {strides = array<i32>} : memref<80x128xf32, #tpu.memory_space<vmem>>, vector<1x16xf32>,
          %parallel_loop3A_217 = vector.shape_cast %parallel_loop3A_216 : vector<1x16xf32> to vector<16xf32>
          %parallel_loop3A_218 = vector.shape_cast %parallel_loop3A_213 : vector<16xf32> to vector<1x16xf32>
          tpu.vector_store %arg12[%parallel_loop3A_214, %parallel_loop3A_215], %parallel_loop3A_218 {strides = array<i32>} : memref<80x128xf32, #tpu.memory_space<vmem>>, vector<1x16xf32>,
          %parallel_loop3A_219 = arith.index_cast %parallel_loop3A_120 : i32 to index
          %parallel_loop3A_220 = arith.constant 112 : index
          %parallel_loop3A_221 = tpu.vector_load %arg12[%parallel_loop3A_219, %parallel_loop3A_220] {strides = array<i32>} : memref<80x128xf32, #tpu.memory_space<vmem>>, vector<1x16xf32>,
          %parallel_loop3A_222 = vector.shape_cast %parallel_loop3A_221 : vector<1x16xf32> to vector<16xf32>
          %parallel_loop3A_223 = arith.index_cast %parallel_loop3A_120 : i32 to index
          %parallel_loop3A_224 = arith.constant 112 : index
          %parallel_loop3A_225 = tpu.vector_load %arg13[%parallel_loop3A_223, %parallel_loop3A_224] {strides = array<i32>} : memref<80x128xf32, #tpu.memory_space<vmem>>, vector<1x16xf32>,
          %parallel_loop3A_226 = vector.shape_cast %parallel_loop3A_225 : vector<1x16xf32> to vector<16xf32>
          %parallel_loop3A_227 = arith.subf %parallel_loop3A_222, %parallel_loop3A_226 : vector<16xf32>
          %parallel_loop3A_228 = arith.index_cast %parallel_loop3A_120 : i32 to index
          %parallel_loop3A_229 = arith.constant 112 : index
          %parallel_loop3A_230 = tpu.vector_load %arg12[%parallel_loop3A_228, %parallel_loop3A_229] {strides = array<i32>} : memref<80x128xf32, #tpu.memory_space<vmem>>, vector<1x16xf32>,
          %parallel_loop3A_231 = vector.shape_cast %parallel_loop3A_230 : vector<1x16xf32> to vector<16xf32>
          %parallel_loop3A_232 = vector.shape_cast %parallel_loop3A_227 : vector<16xf32> to vector<1x16xf32>
          tpu.vector_store %arg12[%parallel_loop3A_228, %parallel_loop3A_229], %parallel_loop3A_232 {strides = array<i32>} : memref<80x128xf32, #tpu.memory_space<vmem>>, vector<1x16xf32>,
        } {sc.loop_unroll_factor = 4 : i64, sc.parallel_access}
        "tpu.region"() ({
          %run_scoped3A = tpu.sem_alloc : memref<!tpu.dma_semaphore, #tpu.memory_space<semaphore_mem>>
          %dma_start3A_120 = arith.constant 0 : i32
          %dma_start3A_121 = arith.constant 0 : i32
          %dma_start3A_122 = tpu.memref_slice %arg14[%dma_start3A_120, %dma_start3A_121] : memref<10000x128xf32, #tpu.memory_space<vmem_shared>> -> memref<10000x128xf32, #tpu.memory_space<vmem_shared>>
          tpu.enqueue_indirect_dma source(%arg12 : memref<80x128xf32, #tpu.memory_space<vmem>>) target(%dma_start3A_122 : memref<10000x128xf32, #tpu.memory_space<vmem_shared>>) offsets(%arg9 : memref<80xi32, #tpu.memory_space<vmem>>) semaphore(%run_scoped3A : memref<!tpu.dma_semaphore, #tpu.memory_space<semaphore_mem>>) {add = true}
          %dma_wait3A_123 = arith.constant 0 : i32
          %dma_wait3A_124 = arith.constant 0 : i32
          %dma_wait3A_125 = tpu.memref_slice %arg14[%dma_wait3A_123, %dma_wait3A_124] : memref<10000x128xf32, #tpu.memory_space<vmem_shared>> -> memref<10000x128xf32, #tpu.memory_space<vmem_shared>>
          tpu.wait_indirect_dma semaphore(%run_scoped3A : memref<!tpu.dma_semaphore, #tpu.memory_space<semaphore_mem>>) src(%arg12 : memref<80x128xf32, #tpu.memory_space<vmem>>) dst(%dma_wait3A_125 : memref<10000x128xf32, #tpu.memory_space<vmem_shared>>)
          tpu.yield
        }) : () -> ()
        %add3A_114 = arith.constant 2 : i32
        %add3A_115 = arith.addi %scan3A_77, %add3A_114 : i32
        %lt3A = arith.constant 125 : i32
        %lt3A_116 = arith.cmpi slt, %add3A_115, %lt3A : i32
        %convert_element_type3A_117 = arith.extui %lt3A_116 : i1 to i32
        %cond3A_118 = arith.constant 0 : i32
        %cond3A_119 = arith.cmpi ne, %convert_element_type3A_117, %cond3A_118 : i32
        scf.if %cond3A_119 {
          %add3A_120 = arith.constant 2 : i32
          %add3A_121 = arith.addi %scan3A_77, %add3A_120 : i32
          %mul3A_122 = arith.constant 80 : i32
          %mul3A_123 = arith.muli %add3A_121, %mul3A_122 : i32
          %add3A_124 = arith.addi %mul3A_28, %mul3A_123 : i32
          %dma_start3A_125 = tpu.memref_slice %arg3[%add3A_124] : memref<320000xi32, #tpu.memory_space<hbm>> -> memref<80xi32, #tpu.memory_space<hbm>>
          %dma_start3A_126 = tpu.memref_slice %arg3[%add3A_124] : memref<320000xi32, #tpu.memory_space<hbm>> -> memref<80xi32, #tpu.memory_space<hbm>>
          tpu.enqueue_dma source(%dma_start3A_126 : memref<80xi32, #tpu.memory_space<hbm>>) target(%arg8 : memref<80xi32, #tpu.memory_space<vmem>>) target_semaphore(%arg20 : memref<!tpu.dma_semaphore, #tpu.memory_space<semaphore_mem>>)
          %dma_start3A_127 = tpu.memref_slice %arg4[%add3A_124] : memref<320000xi32, #tpu.memory_space<hbm>> -> memref<80xi32, #tpu.memory_space<hbm>>
          %dma_start3A_128 = tpu.memref_slice %arg4[%add3A_124] : memref<320000xi32, #tpu.memory_space<hbm>> -> memref<80xi32, #tpu.memory_space<hbm>>
          tpu.enqueue_dma source(%dma_start3A_128 : memref<80xi32, #tpu.memory_space<hbm>>) target(%arg9 : memref<80xi32, #tpu.memory_space<vmem>>) target_semaphore(%arg22 : memref<!tpu.dma_semaphore, #tpu.memory_space<semaphore_mem>>)
        } else {
        }
      } else {
      }
      %scan3A_90 = arith.constant 0 : i32
      scf.yield %scan3A_90 : i32
    }
    %scan3A_59 = arith.constant 124 : i32
    %dma_wait3A_60 = arith.constant 0 : i32
    %dma_wait3A_61 = arith.constant 0 : i32
    %dma_wait3A_62 = tpu.memref_slice %arg2[%dma_wait3A_60, %dma_wait3A_61] : memref<10000x128xf32, #tpu.memory_space<hbm>> -> memref<10000x128xf32, #tpu.memory_space<hbm>>
    tpu.wait_indirect_dma semaphore(%arg15 : memref<!tpu.dma_semaphore, #tpu.memory_space<semaphore_mem>>) src(%dma_wait3A_62 : memref<10000x128xf32, #tpu.memory_space<hbm>>) dst(%arg10 : memref<80x128xf32, #tpu.memory_space<vmem>>)
    %dma_wait3A_63 = arith.constant 0 : i32
    %dma_wait3A_64 = arith.constant 0 : i32
    %dma_wait3A_65 = tpu.memref_slice %arg2[%dma_wait3A_63, %dma_wait3A_64] : memref<10000x128xf32, #tpu.memory_space<hbm>> -> memref<10000x128xf32, #tpu.memory_space<hbm>>
    tpu.wait_indirect_dma semaphore(%arg16 : memref<!tpu.dma_semaphore, #tpu.memory_space<semaphore_mem>>) src(%dma_wait3A_65 : memref<10000x128xf32, #tpu.memory_space<hbm>>) dst(%arg11 : memref<80x128xf32, #tpu.memory_space<vmem>>)
    %parallel_loop3A = arith.constant 0 : i32
    %parallel_loop3A_66 = arith.constant 80 : i32
    %parallel_loop3A_67 = arith.constant 1 : i32
    scf.for %parallel_loop3A_77 = %parallel_loop3A to %parallel_loop3A_66 step %parallel_loop3A_67  : i32 {
      %parallel_loop3A_78 = arith.index_cast %parallel_loop3A_77 : i32 to index
      %parallel_loop3A_79 = arith.constant 0 : index
      %parallel_loop3A_80 = tpu.vector_load %arg10[%parallel_loop3A_78, %parallel_loop3A_79] {strides = array<i32>} : memref<80x128xf32, #tpu.memory_space<vmem>>, vector<1x16xf32>,
      %parallel_loop3A_81 = vector.shape_cast %parallel_loop3A_80 : vector<1x16xf32> to vector<16xf32>
      %parallel_loop3A_82 = arith.index_cast %parallel_loop3A_77 : i32 to index
      %parallel_loop3A_83 = arith.constant 0 : index
      %parallel_loop3A_84 = tpu.vector_load %arg11[%parallel_loop3A_82, %parallel_loop3A_83] {strides = array<i32>} : memref<80x128xf32, #tpu.memory_space<vmem>>, vector<1x16xf32>,
      %parallel_loop3A_85 = vector.shape_cast %parallel_loop3A_84 : vector<1x16xf32> to vector<16xf32>
      %parallel_loop3A_86 = arith.subf %parallel_loop3A_81, %parallel_loop3A_85 : vector<16xf32>
      %parallel_loop3A_87 = arith.index_cast %parallel_loop3A_77 : i32 to index
      %parallel_loop3A_88 = arith.constant 0 : index
      %parallel_loop3A_89 = tpu.vector_load %arg10[%parallel_loop3A_87, %parallel_loop3A_88] {strides = array<i32>} : memref<80x128xf32, #tpu.memory_space<vmem>>, vector<1x16xf32>,
      %parallel_loop3A_90 = vector.shape_cast %parallel_loop3A_89 : vector<1x16xf32> to vector<16xf32>
      %parallel_loop3A_91 = vector.shape_cast %parallel_loop3A_86 : vector<16xf32> to vector<1x16xf32>
      tpu.vector_store %arg10[%parallel_loop3A_87, %parallel_loop3A_88], %parallel_loop3A_91 {strides = array<i32>} : memref<80x128xf32, #tpu.memory_space<vmem>>, vector<1x16xf32>,
      %parallel_loop3A_92 = arith.index_cast %parallel_loop3A_77 : i32 to index
      %parallel_loop3A_93 = arith.constant 16 : index
      %parallel_loop3A_94 = tpu.vector_load %arg10[%parallel_loop3A_92, %parallel_loop3A_93] {strides = array<i32>} : memref<80x128xf32, #tpu.memory_space<vmem>>, vector<1x16xf32>,
      %parallel_loop3A_95 = vector.shape_cast %parallel_loop3A_94 : vector<1x16xf32> to vector<16xf32>
      %parallel_loop3A_96 = arith.index_cast %parallel_loop3A_77 : i32 to index
      %parallel_loop3A_97 = arith.constant 16 : index
      %parallel_loop3A_98 = tpu.vector_load %arg11[%parallel_loop3A_96, %parallel_loop3A_97] {strides = array<i32>} : memref<80x128xf32, #tpu.memory_space<vmem>>, vector<1x16xf32>,
      %parallel_loop3A_99 = vector.shape_cast %parallel_loop3A_98 : vector<1x16xf32> to vector<16xf32>
      %parallel_loop3A_100 = arith.subf %parallel_loop3A_95, %parallel_loop3A_99 : vector<16xf32>
      %parallel_loop3A_101 = arith.index_cast %parallel_loop3A_77 : i32 to index
      %parallel_loop3A_102 = arith.constant 16 : index
      %parallel_loop3A_103 = tpu.vector_load %arg10[%parallel_loop3A_101, %parallel_loop3A_102] {strides = array<i32>} : memref<80x128xf32, #tpu.memory_space<vmem>>, vector<1x16xf32>,
      %parallel_loop3A_104 = vector.shape_cast %parallel_loop3A_103 : vector<1x16xf32> to vector<16xf32>
      %parallel_loop3A_105 = vector.shape_cast %parallel_loop3A_100 : vector<16xf32> to vector<1x16xf32>
      tpu.vector_store %arg10[%parallel_loop3A_101, %parallel_loop3A_102], %parallel_loop3A_105 {strides = array<i32>} : memref<80x128xf32, #tpu.memory_space<vmem>>, vector<1x16xf32>,
      %parallel_loop3A_106 = arith.index_cast %parallel_loop3A_77 : i32 to index
      %parallel_loop3A_107 = arith.constant 32 : index
      %parallel_loop3A_108 = tpu.vector_load %arg10[%parallel_loop3A_106, %parallel_loop3A_107] {strides = array<i32>} : memref<80x128xf32, #tpu.memory_space<vmem>>, vector<1x16xf32>,
      %parallel_loop3A_109 = vector.shape_cast %parallel_loop3A_108 : vector<1x16xf32> to vector<16xf32>
      %parallel_loop3A_110 = arith.index_cast %parallel_loop3A_77 : i32 to index
      %parallel_loop3A_111 = arith.constant 32 : index
      %parallel_loop3A_112 = tpu.vector_load %arg11[%parallel_loop3A_110, %parallel_loop3A_111] {strides = array<i32>} : memref<80x128xf32, #tpu.memory_space<vmem>>, vector<1x16xf32>,
      %parallel_loop3A_113 = vector.shape_cast %parallel_loop3A_112 : vector<1x16xf32> to vector<16xf32>
      %parallel_loop3A_114 = arith.subf %parallel_loop3A_109, %parallel_loop3A_113 : vector<16xf32>
      %parallel_loop3A_115 = arith.index_cast %parallel_loop3A_77 : i32 to index
      %parallel_loop3A_116 = arith.constant 32 : index
      %parallel_loop3A_117 = tpu.vector_load %arg10[%parallel_loop3A_115, %parallel_loop3A_116] {strides = array<i32>} : memref<80x128xf32, #tpu.memory_space<vmem>>, vector<1x16xf32>,
      %parallel_loop3A_118 = vector.shape_cast %parallel_loop3A_117 : vector<1x16xf32> to vector<16xf32>
      %parallel_loop3A_119 = vector.shape_cast %parallel_loop3A_114 : vector<16xf32> to vector<1x16xf32>
      tpu.vector_store %arg10[%parallel_loop3A_115, %parallel_loop3A_116], %parallel_loop3A_119 {strides = array<i32>} : memref<80x128xf32, #tpu.memory_space<vmem>>, vector<1x16xf32>,
      %parallel_loop3A_120 = arith.index_cast %parallel_loop3A_77 : i32 to index
      %parallel_loop3A_121 = arith.constant 48 : index
      %parallel_loop3A_122 = tpu.vector_load %arg10[%parallel_loop3A_120, %parallel_loop3A_121] {strides = array<i32>} : memref<80x128xf32, #tpu.memory_space<vmem>>, vector<1x16xf32>,
      %parallel_loop3A_123 = vector.shape_cast %parallel_loop3A_122 : vector<1x16xf32> to vector<16xf32>
      %parallel_loop3A_124 = arith.index_cast %parallel_loop3A_77 : i32 to index
      %parallel_loop3A_125 = arith.constant 48 : index
      %parallel_loop3A_126 = tpu.vector_load %arg11[%parallel_loop3A_124, %parallel_loop3A_125] {strides = array<i32>} : memref<80x128xf32, #tpu.memory_space<vmem>>, vector<1x16xf32>,
      %parallel_loop3A_127 = vector.shape_cast %parallel_loop3A_126 : vector<1x16xf32> to vector<16xf32>
      %parallel_loop3A_128 = arith.subf %parallel_loop3A_123, %parallel_loop3A_127 : vector<16xf32>
      %parallel_loop3A_129 = arith.index_cast %parallel_loop3A_77 : i32 to index
      %parallel_loop3A_130 = arith.constant 48 : index
      %parallel_loop3A_131 = tpu.vector_load %arg10[%parallel_loop3A_129, %parallel_loop3A_130] {strides = array<i32>} : memref<80x128xf32, #tpu.memory_space<vmem>>, vector<1x16xf32>,
      %parallel_loop3A_132 = vector.shape_cast %parallel_loop3A_131 : vector<1x16xf32> to vector<16xf32>
      %parallel_loop3A_133 = vector.shape_cast %parallel_loop3A_128 : vector<16xf32> to vector<1x16xf32>
      tpu.vector_store %arg10[%parallel_loop3A_129, %parallel_loop3A_130], %parallel_loop3A_133 {strides = array<i32>} : memref<80x128xf32, #tpu.memory_space<vmem>>, vector<1x16xf32>,
      %parallel_loop3A_134 = arith.index_cast %parallel_loop3A_77 : i32 to index
      %parallel_loop3A_135 = arith.constant 64 : index
      %parallel_loop3A_136 = tpu.vector_load %arg10[%parallel_loop3A_134, %parallel_loop3A_135] {strides = array<i32>} : memref<80x128xf32, #tpu.memory_space<vmem>>, vector<1x16xf32>,
      %parallel_loop3A_137 = vector.shape_cast %parallel_loop3A_136 : vector<1x16xf32> to vector<16xf32>
      %parallel_loop3A_138 = arith.index_cast %parallel_loop3A_77 : i32 to index
      %parallel_loop3A_139 = arith.constant 64 : index
      %parallel_loop3A_140 = tpu.vector_load %arg11[%parallel_loop3A_138, %parallel_loop3A_139] {strides = array<i32>} : memref<80x128xf32, #tpu.memory_space<vmem>>, vector<1x16xf32>,
      %parallel_loop3A_141 = vector.shape_cast %parallel_loop3A_140 : vector<1x16xf32> to vector<16xf32>
      %parallel_loop3A_142 = arith.subf %parallel_loop3A_137, %parallel_loop3A_141 : vector<16xf32>
      %parallel_loop3A_143 = arith.index_cast %parallel_loop3A_77 : i32 to index
      %parallel_loop3A_144 = arith.constant 64 : index
      %parallel_loop3A_145 = tpu.vector_load %arg10[%parallel_loop3A_143, %parallel_loop3A_144] {strides = array<i32>} : memref<80x128xf32, #tpu.memory_space<vmem>>, vector<1x16xf32>,
      %parallel_loop3A_146 = vector.shape_cast %parallel_loop3A_145 : vector<1x16xf32> to vector<16xf32>
      %parallel_loop3A_147 = vector.shape_cast %parallel_loop3A_142 : vector<16xf32> to vector<1x16xf32>
      tpu.vector_store %arg10[%parallel_loop3A_143, %parallel_loop3A_144], %parallel_loop3A_147 {strides = array<i32>} : memref<80x128xf32, #tpu.memory_space<vmem>>, vector<1x16xf32>,
      %parallel_loop3A_148 = arith.index_cast %parallel_loop3A_77 : i32 to index
      %parallel_loop3A_149 = arith.constant 80 : index
      %parallel_loop3A_150 = tpu.vector_load %arg10[%parallel_loop3A_148, %parallel_loop3A_149] {strides = array<i32>} : memref<80x128xf32, #tpu.memory_space<vmem>>, vector<1x16xf32>,
      %parallel_loop3A_151 = vector.shape_cast %parallel_loop3A_150 : vector<1x16xf32> to vector<16xf32>
      %parallel_loop3A_152 = arith.index_cast %parallel_loop3A_77 : i32 to index
      %parallel_loop3A_153 = arith.constant 80 : index
      %parallel_loop3A_154 = tpu.vector_load %arg11[%parallel_loop3A_152, %parallel_loop3A_153] {strides = array<i32>} : memref<80x128xf32, #tpu.memory_space<vmem>>, vector<1x16xf32>,
      %parallel_loop3A_155 = vector.shape_cast %parallel_loop3A_154 : vector<1x16xf32> to vector<16xf32>
      %parallel_loop3A_156 = arith.subf %parallel_loop3A_151, %parallel_loop3A_155 : vector<16xf32>
      %parallel_loop3A_157 = arith.index_cast %parallel_loop3A_77 : i32 to index
      %parallel_loop3A_158 = arith.constant 80 : index
      %parallel_loop3A_159 = tpu.vector_load %arg10[%parallel_loop3A_157, %parallel_loop3A_158] {strides = array<i32>} : memref<80x128xf32, #tpu.memory_space<vmem>>, vector<1x16xf32>,
      %parallel_loop3A_160 = vector.shape_cast %parallel_loop3A_159 : vector<1x16xf32> to vector<16xf32>
      %parallel_loop3A_161 = vector.shape_cast %parallel_loop3A_156 : vector<16xf32> to vector<1x16xf32>
      tpu.vector_store %arg10[%parallel_loop3A_157, %parallel_loop3A_158], %parallel_loop3A_161 {strides = array<i32>} : memref<80x128xf32, #tpu.memory_space<vmem>>, vector<1x16xf32>,
      %parallel_loop3A_162 = arith.index_cast %parallel_loop3A_77 : i32 to index
      %parallel_loop3A_163 = arith.constant 96 : index
      %parallel_loop3A_164 = tpu.vector_load %arg10[%parallel_loop3A_162, %parallel_loop3A_163] {strides = array<i32>} : memref<80x128xf32, #tpu.memory_space<vmem>>, vector<1x16xf32>,
      %parallel_loop3A_165 = vector.shape_cast %parallel_loop3A_164 : vector<1x16xf32> to vector<16xf32>
      %parallel_loop3A_166 = arith.index_cast %parallel_loop3A_77 : i32 to index
      %parallel_loop3A_167 = arith.constant 96 : index
      %parallel_loop3A_168 = tpu.vector_load %arg11[%parallel_loop3A_166, %parallel_loop3A_167] {strides = array<i32>} : memref<80x128xf32, #tpu.memory_space<vmem>>, vector<1x16xf32>,
      %parallel_loop3A_169 = vector.shape_cast %parallel_loop3A_168 : vector<1x16xf32> to vector<16xf32>
      %parallel_loop3A_170 = arith.subf %parallel_loop3A_165, %parallel_loop3A_169 : vector<16xf32>
      %parallel_loop3A_171 = arith.index_cast %parallel_loop3A_77 : i32 to index
      %parallel_loop3A_172 = arith.constant 96 : index
      %parallel_loop3A_173 = tpu.vector_load %arg10[%parallel_loop3A_171, %parallel_loop3A_172] {strides = array<i32>} : memref<80x128xf32, #tpu.memory_space<vmem>>, vector<1x16xf32>,
      %parallel_loop3A_174 = vector.shape_cast %parallel_loop3A_173 : vector<1x16xf32> to vector<16xf32>
      %parallel_loop3A_175 = vector.shape_cast %parallel_loop3A_170 : vector<16xf32> to vector<1x16xf32>
      tpu.vector_store %arg10[%parallel_loop3A_171, %parallel_loop3A_172], %parallel_loop3A_175 {strides = array<i32>} : memref<80x128xf32, #tpu.memory_space<vmem>>, vector<1x16xf32>,
      %parallel_loop3A_176 = arith.index_cast %parallel_loop3A_77 : i32 to index
      %parallel_loop3A_177 = arith.constant 112 : index
      %parallel_loop3A_178 = tpu.vector_load %arg10[%parallel_loop3A_176, %parallel_loop3A_177] {strides = array<i32>} : memref<80x128xf32, #tpu.memory_space<vmem>>, vector<1x16xf32>,
      %parallel_loop3A_179 = vector.shape_cast %parallel_loop3A_178 : vector<1x16xf32> to vector<16xf32>
      %parallel_loop3A_180 = arith.index_cast %parallel_loop3A_77 : i32 to index
      %parallel_loop3A_181 = arith.constant 112 : index
      %parallel_loop3A_182 = tpu.vector_load %arg11[%parallel_loop3A_180, %parallel_loop3A_181] {strides = array<i32>} : memref<80x128xf32, #tpu.memory_space<vmem>>, vector<1x16xf32>,
      %parallel_loop3A_183 = vector.shape_cast %parallel_loop3A_182 : vector<1x16xf32> to vector<16xf32>
      %parallel_loop3A_184 = arith.subf %parallel_loop3A_179, %parallel_loop3A_183 : vector<16xf32>
      %parallel_loop3A_185 = arith.index_cast %parallel_loop3A_77 : i32 to index
      %parallel_loop3A_186 = arith.constant 112 : index
      %parallel_loop3A_187 = tpu.vector_load %arg10[%parallel_loop3A_185, %parallel_loop3A_186] {strides = array<i32>} : memref<80x128xf32, #tpu.memory_space<vmem>>, vector<1x16xf32>,
      %parallel_loop3A_188 = vector.shape_cast %parallel_loop3A_187 : vector<1x16xf32> to vector<16xf32>
      %parallel_loop3A_189 = vector.shape_cast %parallel_loop3A_184 : vector<16xf32> to vector<1x16xf32>
      tpu.vector_store %arg10[%parallel_loop3A_185, %parallel_loop3A_186], %parallel_loop3A_189 {strides = array<i32>} : memref<80x128xf32, #tpu.memory_space<vmem>>, vector<1x16xf32>,
    } {sc.loop_unroll_factor = 4 : i64, sc.parallel_access}
    "tpu.region"() ({
      %run_scoped3A = tpu.sem_alloc : memref<!tpu.dma_semaphore, #tpu.memory_space<semaphore_mem>>
      %dma_start3A_77 = arith.constant 0 : i32
      %dma_start3A_78 = arith.constant 0 : i32
      %dma_start3A_79 = tpu.memref_slice %arg14[%dma_start3A_77, %dma_start3A_78] : memref<10000x128xf32, #tpu.memory_space<vmem_shared>> -> memref<10000x128xf32, #tpu.memory_space<vmem_shared>>
      tpu.enqueue_indirect_dma source(%arg10 : memref<80x128xf32, #tpu.memory_space<vmem>>) target(%dma_start3A_79 : memref<10000x128xf32, #tpu.memory_space<vmem_shared>>) offsets(%arg7 : memref<80xi32, #tpu.memory_space<vmem>>) semaphore(%run_scoped3A : memref<!tpu.dma_semaphore, #tpu.memory_space<semaphore_mem>>) {add = true}
      %dma_wait3A_80 = arith.constant 0 : i32
      %dma_wait3A_81 = arith.constant 0 : i32
      %dma_wait3A_82 = tpu.memref_slice %arg14[%dma_wait3A_80, %dma_wait3A_81] : memref<10000x128xf32, #tpu.memory_space<vmem_shared>> -> memref<10000x128xf32, #tpu.memory_space<vmem_shared>>
      tpu.wait_indirect_dma semaphore(%run_scoped3A : memref<!tpu.dma_semaphore, #tpu.memory_space<semaphore_mem>>) src(%arg10 : memref<80x128xf32, #tpu.memory_space<vmem>>) dst(%dma_wait3A_82 : memref<10000x128xf32, #tpu.memory_space<vmem_shared>>)
      tpu.yield
    }) : () -> ()
    %barrier3A_68 = arith.constant 0 : index
    tpu.barrier barrier_id(%barrier3A_68)
    %mul3A_69 = arith.constant 10000 : i32
    %mul3A_70 = arith.muli %arg0, %mul3A_69 : i32
    %add3A_71 = arith.addi %mul3A_70, %mul3A_8 : i32
    "tpu.region"() ({
      %run_scoped3A = tpu.sem_alloc : memref<!tpu.dma_semaphore, #tpu.memory_space<semaphore_mem>>
      %dma_start3A_77 = arith.constant 0 : i32
      %dma_start3A_78 = tpu.memref_slice %arg5[%add3A_71, %dma_start3A_77] : memref<20000x128xf32, #tpu.memory_space<hbm>> -> memref<624x128xf32, #tpu.memory_space<hbm>>
      %dma_start3A_79 = arith.constant 0 : i32
      %dma_start3A_80 = tpu.memref_slice %arg14[%mul3A_8, %dma_start3A_79] : memref<10000x128xf32, #tpu.memory_space<vmem_shared>> -> memref<624x128xf32, #tpu.memory_space<vmem_shared>>
      tpu.enqueue_dma source(%dma_start3A_80 : memref<624x128xf32, #tpu.memory_space<vmem_shared>>) target(%dma_start3A_78 : memref<624x128xf32, #tpu.memory_space<hbm>>) target_semaphore(%run_scoped3A : memref<!tpu.dma_semaphore, #tpu.memory_space<semaphore_mem>>)
      %dma_wait3A_81 = arith.constant 0 : i32
      %dma_wait3A_82 = tpu.memref_slice %arg5[%add3A_71, %dma_wait3A_81] : memref<20000x128xf32, #tpu.memory_space<hbm>> -> memref<624x128xf32, #tpu.memory_space<hbm>>
      %dma_wait3A_83 = arith.constant 0 : i32
      %dma_wait3A_84 = tpu.memref_slice %arg14[%mul3A_8, %dma_wait3A_83] : memref<10000x128xf32, #tpu.memory_space<vmem_shared>> -> memref<624x128xf32, #tpu.memory_space<vmem_shared>>
      tpu.wait_dma2 semaphore(%run_scoped3A : memref<!tpu.dma_semaphore, #tpu.memory_space<semaphore_mem>>) src(%dma_wait3A_84 : memref<624x128xf32, #tpu.memory_space<vmem_shared>>) dst(%dma_wait3A_82 : memref<624x128xf32, #tpu.memory_space<hbm>>)
      tpu.yield
    }) : () -> ()
    %eq3A_72 = arith.constant 15 : i32
    %eq3A_73 = arith.cmpi eq, %arg1, %eq3A_72 : i32
    %convert_element_type3A_74 = arith.extui %eq3A_73 : i1 to i32
    %cond3A_75 = arith.constant 0 : i32
    %cond3A_76 = arith.cmpi ne, %convert_element_type3A_74, %cond3A_75 : i32
    scf.if %cond3A_76 {
      %mul3A_77 = arith.constant 10000 : i32
      %mul3A_78 = arith.muli %arg0, %mul3A_77 : i32
      %add3A_79 = arith.constant 9984 : i32
      %add3A_80 = arith.addi %mul3A_78, %add3A_79 : i32
      "tpu.region"() ({
        %run_scoped3A = tpu.sem_alloc : memref<!tpu.dma_semaphore, #tpu.memory_space<semaphore_mem>>
        %dma_start3A_81 = arith.constant 0 : i32
        %dma_start3A_82 = tpu.memref_slice %arg5[%add3A_80, %dma_start3A_81] : memref<20000x128xf32, #tpu.memory_space<hbm>> -> memref<16x128xf32, #tpu.memory_space<hbm>>
        %dma_start3A_83 = arith.constant 9984 : i32
        %dma_start3A_84 = arith.constant 0 : i32
        %dma_start3A_85 = tpu.memref_slice %arg14[%dma_start3A_83, %dma_start3A_84] : memref<10000x128xf32, #tpu.memory_space<vmem_shared>> -> memref<16x128xf32, #tpu.memory_space<vmem_shared>>
        tpu.enqueue_dma source(%dma_start3A_85 : memref<16x128xf32, #tpu.memory_space<vmem_shared>>) target(%dma_start3A_82 : memref<16x128xf32, #tpu.memory_space<hbm>>) target_semaphore(%run_scoped3A : memref<!tpu.dma_semaphore, #tpu.memory_space<semaphore_mem>>)
        %dma_wait3A_86 = arith.constant 0 : i32
        %dma_wait3A_87 = tpu.memref_slice %arg5[%add3A_80, %dma_wait3A_86] : memref<20000x128xf32, #tpu.memory_space<hbm>> -> memref<16x128xf32, #tpu.memory_space<hbm>>
        %dma_wait3A_88 = arith.constant 9984 : i32
        %dma_wait3A_89 = arith.constant 0 : i32
        %dma_wait3A_90 = tpu.memref_slice %arg14[%dma_wait3A_88, %dma_wait3A_89] : memref<10000x128xf32, #tpu.memory_space<vmem_shared>> -> memref<16x128xf32, #tpu.memory_space<vmem_shared>>
        tpu.wait_dma2 semaphore(%run_scoped3A : memref<!tpu.dma_semaphore, #tpu.memory_space<semaphore_mem>>) src(%dma_wait3A_90 : memref<16x128xf32, #tpu.memory_space<vmem_shared>>) dst(%dma_wait3A_87 : memref<16x128xf32, #tpu.memory_space<hbm>>)
        tpu.yield
      }) : () -> ()
    } else {
    }
    return
  }
}

module attributes {stable_mosaic.version = 14 : i64} {
  func.func @body(%arg0: i32, %arg1: memref<1000x128xf32, #tpu.memory_space<vmem>>, %arg2: memref<1000x128xf32, #tpu.memory_space<vmem>>, %arg3: memref<1000x128xf32, #tpu.memory_space<vmem>>, %arg4: memref<1000x128xf32, #tpu.memory_space<vmem>>) attributes {dimension_semantics = [#tpu.dimension_semantics<arbitrary>], iteration_bounds = array<i64: 10>, scalar_prefetch = 0 : i64, scratch_operands = 0 : i64, tpu.core_type = #tpu.core_type<tc>, window_params = [{transform_indices = @transform_0, window_bounds = array<i64: 1000, 128>}, {transform_indices = @transform_1, window_bounds = array<i64: 1000, 128>}, {transform_indices = @transform_2, window_bounds = array<i64: 1000, 128>}, {transform_indices = @transform_3, window_bounds = array<i64: 1000, 128>}]} {
    %get3A = arith.constant 0 : index
    %get3A_0 = arith.constant 0 : index
    %get3A_1 = vector.load %arg1[%get3A, %get3A_0] : memref<1000x128xf32, #tpu.memory_space<vmem>>, vector<1000x128xf32>
    %get3A_2 = arith.constant 0 : index
    %get3A_3 = arith.constant 0 : index
    %get3A_4 = vector.load %arg2[%get3A_2, %get3A_3] : memref<1000x128xf32, #tpu.memory_space<vmem>>, vector<1000x128xf32>
    %add3A = arith.addf %get3A_1, %get3A_4 : vector<1000x128xf32>
    %get3A_5 = arith.constant 0 : index
    %get3A_6 = arith.constant 0 : index
    %get3A_7 = vector.load %arg3[%get3A_5, %get3A_6] : memref<1000x128xf32, #tpu.memory_space<vmem>>, vector<1000x128xf32>
    %add3A_8 = arith.addf %add3A, %get3A_7 : vector<1000x128xf32>
    %swap3A = arith.constant 0 : index
    %swap3A_9 = arith.constant 0 : index
    %swap3A_10 = vector.load %arg4[%swap3A, %swap3A_9] : memref<1000x128xf32, #tpu.memory_space<vmem>>, vector<1000x128xf32>
    tpu.vector_store %arg4[%swap3A, %swap3A_9], %add3A_8 {strides = array<i32>} : memref<1000x128xf32, #tpu.memory_space<vmem>>, vector<1000x128xf32>,
    return
  }
  func.func @transform_0(%arg0: i32) -> (i32, i32) {
    %c0_i32 = arith.constant 0 : i32
    %c0_i32_0 = arith.constant 0 : i32
    return %arg0, %c0_i32 : i32, i32
  }
  func.func @transform_1(%arg0: i32) -> (i32, i32) {
    %c0_i32 = arith.constant 0 : i32
    %c0_i32_0 = arith.constant 0 : i32
    return %arg0, %c0_i32 : i32, i32
  }
  func.func @transform_2(%arg0: i32) -> (i32, i32) {
    %add3A = arith.constant 10 : i32
    %add3A_0 = arith.addi %arg0, %add3A : i32
    %c0_i32 = arith.constant 0 : i32
    %c0_i32_1 = arith.constant 0 : i32
    return %add3A_0, %c0_i32 : i32, i32
  }
  func.func @transform_3(%arg0: i32) -> (i32, i32) {
    %c0_i32 = arith.constant 0 : i32
    %c0_i32_0 = arith.constant 0 : i32
    return %arg0, %c0_i32 : i32, i32
  }
}

module attributes {stable_mosaic.version = 14 : i64} {
  func.func @body(%arg0: i32, %arg1: memref<1000x128xf32, #tpu.memory_space<vmem>>, %arg2: memref<256x128xf32, #tpu.memory_space<vmem>>, %arg3: memref<1x128xf32, #tpu.memory_space<vmem>>, %arg4: memref<1000x128xf32, #tpu.memory_space<vmem>>, %arg5: memref<1000x128xf32, #tpu.memory_space<vmem>>) attributes {dimension_semantics = [#tpu.dimension_semantics<arbitrary>], iteration_bounds = array<i64: 10>, scalar_prefetch = 0 : i64, scratch_operands = 0 : i64, tpu.core_type = #tpu.core_type<tc>, window_params = [{transform_indices = @transform_0, window_bounds = array<i64: 1000, 128>}, {pipeline_mode = #tpu.pipeline_mode<synchronous>, transform_indices = @transform_1, window_bounds = array<i64: 256, 128>}, {pipeline_mode = #tpu.pipeline_mode<synchronous>, transform_indices = @transform_2, window_bounds = array<i64: 1, 128>}, {transform_indices = @transform_3, window_bounds = array<i64: 1000, 128>}, {transform_indices = @transform_4, window_bounds = array<i64: 1000, 128>}]} {
    %get3A = arith.constant 0 : index
    %get3A_0 = arith.constant 0 : index
    %get3A_1 = vector.load %arg1[%get3A, %get3A_0] : memref<1000x128xf32, #tpu.memory_space<vmem>>, vector<1000x128xf32>
    %get3A_2 = arith.constant 0 : index
    %get3A_3 = arith.constant 0 : index
    %get3A_4 = vector.load %arg2[%get3A_2, %get3A_3] : memref<256x128xf32, #tpu.memory_space<vmem>>, vector<256x128xf32>
    %dot_general3A = arith.constant dense<0.000000e+00> : vector<1000x256xf32>
    %dot_general3A_5 = tpu.matmul %get3A_1, %get3A_4, %dot_general3A {dimension_numbers = #tpu.dot_dimension_numbers<[1], [1], [0], [0], [0, 0, 1, 0], [], []>, transpose_lhs_hint = false} : vector<1000x128xf32>, vector<256x128xf32>, vector<1000x256xf32> -> vector<1000x256xf32>
    %slice3A = vector.extract_strided_slice %dot_general3A_5 {offsets = [0, 0], sizes = [1000, 128], strides = [1, 1]} : vector<1000x256xf32> to vector<1000x128xf32>
    %swap3A = arith.constant 0 : index
    %swap3A_6 = arith.constant 0 : index
    %swap3A_7 = vector.load %arg4[%swap3A, %swap3A_6] : memref<1000x128xf32, #tpu.memory_space<vmem>>, vector<1000x128xf32>
    tpu.vector_store %arg4[%swap3A, %swap3A_6], %slice3A {strides = array<i32>} : memref<1000x128xf32, #tpu.memory_space<vmem>>, vector<1000x128xf32>,
    %slice3A_8 = vector.extract_strided_slice %dot_general3A_5 {offsets = [0, 128], sizes = [1000, 128], strides = [1, 1]} : vector<1000x256xf32> to vector<1000x128xf32>
    %get3A_9 = arith.constant 0 : index
    %get3A_10 = arith.constant 0 : index
    %get3A_11 = vector.load %arg3[%get3A_9, %get3A_10] : memref<1x128xf32, #tpu.memory_space<vmem>>, vector<1x128xf32>
    %add3A = vector.broadcast %get3A_11 : vector<1x128xf32> to vector<1000x128xf32>
    %add3A_12 = arith.addf %slice3A_8, %add3A : vector<1000x128xf32>
    %swap3A_13 = arith.constant 0 : index
    %swap3A_14 = arith.constant 0 : index
    %swap3A_15 = vector.load %arg5[%swap3A_13, %swap3A_14] : memref<1000x128xf32, #tpu.memory_space<vmem>>, vector<1000x128xf32>
    tpu.vector_store %arg5[%swap3A_13, %swap3A_14], %add3A_12 {strides = array<i32>} : memref<1000x128xf32, #tpu.memory_space<vmem>>, vector<1000x128xf32>,
    return
  }
  func.func @transform_0(%arg0: i32) -> (i32, i32) {
    %c0_i32 = arith.constant 0 : i32
    %c0_i32_0 = arith.constant 0 : i32
    return %arg0, %c0_i32 : i32, i32
  }
  func.func @transform_1(%arg0: i32) -> (i32, i32) {
    %c0_i32 = arith.constant 0 : i32
    %c0_i32_0 = arith.constant 0 : i32
    %c0_i32_1 = arith.constant 0 : i32
    return %c0_i32, %c0_i32_0 : i32, i32
  }
  func.func @transform_2(%arg0: i32) -> (i32, i32) {
    %c0_i32 = arith.constant 0 : i32
    %c0_i32_0 = arith.constant 0 : i32
    %c0_i32_1 = arith.constant 0 : i32
    return %c0_i32, %c0_i32_0 : i32, i32
  }
  func.func @transform_3(%arg0: i32) -> (i32, i32) {
    %c0_i32 = arith.constant 0 : i32
    %c0_i32_0 = arith.constant 0 : i32
    return %arg0, %c0_i32 : i32, i32
  }
  func.func @transform_4(%arg0: i32) -> (i32, i32) {
    %c0_i32 = arith.constant 0 : i32
    %c0_i32_0 = arith.constant 0 : i32
    return %arg0, %c0_i32 : i32, i32
  }
}

</mosaic_0001>

<sc_bundles>
// kernel: kernel.5.cloned.1.call-start
scs
__scs_entry_jumppad:
0x0: {  	(pc) =	sbr.rel $0x88, $3  }
0x1: {  	(tag) =	ssettag $0x0;
	lr =	simm.s32 $0x1  }
0x2: {  	[smem:$0x3F9C] =	sst lr;
	_ =	strace $0xD0000000  }
0x3: {  	_ = 	snop  }
0x4: {  	_ = 	snop  }
0x5: {  	_ = 	snop  }
0x6: {  	_ = 	snop  }
0x7: {  	_ = 	snop  }
__scs_overlays_trampoline_lowered:
0x8: {  	[smem:$0x3FAB] =	sst s0  }
0x9: {  	[smem:$0x3FAC] =	sst s1  }
0xa: {  	[smem:$0x3FAD] =	sst s2  }
0xb: {  	[smem:$0x3FAE] =	sst s3  }
0xc: {  	[smem:$0x3FAF] =	sst s4  }
0xd: {  	[smem:$0x3FB0] =	sst s5  }
0xe: {  	[smem:$0x3FB1] =	sst s6  }
0xf: {  	[smem:$0x3FB2] =	sst s7  }
0x10: {  	[smem:$0x3FB3] =	sst s8  }
0x11: {  	[smem:$0x3FB4] =	sst s9;
	s0 =	simm.s32 @!p0 $0x0  }
0x12: {  	s1 =	sld [smem:$0x3F9A];
	s0 =	simm.s32 @p0 $0x1  }
0x13: {  	[smem:$0x3FB5] =	sst s0;
	s0 =	simm.s32 @!p1 $0x0  }
0x14: {  	s2 =	sld [smem:$0x3F99];
	s0 =	simm.s32 @p1 $0x1  }
0x15: {  	[smem:$0x3FB6] =	sst s0;
	s0 =	simm.s32 @!p2 $0x0  }
0x16: {  	s3 =	sld [smem:$0x3FDB];
	s0 =	simm.s32 @p2 $0x1  }
0x17: {  	s4 =	simm.s32 $0x1BF5;
	[smem:$0x3FB8] =	sst s0  }
0x18: {  	s0 =	sld [smem:$0x3F9B];
	_ =	swait.ge [sflag:s4], $0x0  }
0x19: {  	s7 =	sld [smem:$0x3F9C]  }
0x1a: {  	s8 =	sadd.s32 $0xFFFFE003, lr  }
0x1b: {  	s9 =	sadd.s32 $0xFFFFFEF7, lr;
	s5 =	simm.s32 $0xFFFFFFFF;
	p2 =	slt.u32 s8, $0xFFFFF086  }
0x1c: {  	p1 =	slt.u32 s9, $0xF7A;
	s5 =	simm.s32 @!p2 $0x0  }
0x1d: {  	s5 =	simm.s32 @p1 $0x1;
	p0 =	seq.s32 s7, s2  }
0x1e: {  	s7 =	smul.u32 @!p0 $0xF7A, s2;
	p2 =	seq.s32 @!p0 s5, $0x0  }
0x1f: {  	s9 =	smul.u32 $0xF7A, s1;
	s8 =	simm.s32 @!p0 $0x1BF5;
	p2 =	por !p2, p0  }
0x20: {  	[sflag:s8] =	ssyncset.s32 @!p0 $0xFFFFF086;
	s6 =	sadd.s32 @!p0 s3, s7;
	s7 =	simm.s32 @!p0 $0x108  }
0x21: {  	s3 =	sadd.s32 s3, s9;
	s6 =	sadd.s32 @!p0 $0x88, s6;
	s7 =	simm.s32 @p2 $0x1082  }
0x22: {  	[simem:s7], [sflag:s8] =	dma.local @!p0 [hbm:s6], $0xF7A  }
0x23: {  	s9 =	sor.u32 $0xD0000000, s2;
	s6 =	simm.s32 $0x108;
	_ =	swait.ge @!p0 [sflag:s8], $0x0  }
0x24: {  	s3 =	sadd.s32 $0x88, s3;
	s6 =	simm.s32 @!p1 $0x1082;
	[sflag:s4] =	ssyncset.s32 $0xFFFFF086  }
0x25: {  	[simem:s6], [sflag:s4] =	dma.local [hbm:s3], $0xF7A  }
0x26: {  	[smem:$0x3F9C] =	sst s1;
	(tag) =	ssettag s2;
	_ =	strace s9  }
0x27: {  	s1 =	sld [smem:$0x3FAC]  }
0x28: {  	s2 =	sld [smem:$0x3FAD]  }
0x29: {  	s4 =	sld [smem:$0x3FAF]  }
0x2a: {  	p0 =	seq.s32 s5, $0x0;
	s5 =	sld [smem:$0x3FB0]  }
0x2b: {  	s6 =	sld [smem:$0x3FB1]  }
0x2c: {  	s7 =	sld [smem:$0x3FB2]  }
0x2d: {  	s3 =	simm.s32 $0x108;
	s8 =	sld [smem:$0x3FB3]  }
0x2e: {  	s3 =	simm.s32 @!p0 $0x1082;
	s9 =	sld [smem:$0x3FB4]  }
0x2f: {  	lr =	sadd.s32 s0, s3;
	s0 =	sld [smem:$0x3FAB]  }
0x30: {  	s3 =	sld [smem:$0x3FAE]  }
0x31: {  	[smem:$0x3FB7] =	sst s10  }
0x32: {  	s10 =	sld [smem:$0x3FB5];
	_ =	sdelay $0x3  }
0x33: {  	p0 =	seq.s32 s10, $0x1;
	s10 =	sld [smem:$0x3FB7];
	_ =	sdelay $0x3  }
0x34: {  	[smem:$0x3FB7] =	sst s10  }
0x35: {  	s10 =	sld [smem:$0x3FB6];
	_ =	sdelay $0x3  }
0x36: {  	p1 =	seq.s32 s10, $0x1;
	s10 =	sld [smem:$0x3FB7];
	_ =	sdelay $0x3  }
0x37: {  	[smem:$0x3FB7] =	sst s10  }
0x38: {  	s10 =	sld [smem:$0x3FB8]  }
0x39: {  	_ = 	snop;
	(pc) =	sbr.ind lr, $3  }
0x3a: {  	_ = 	snop  }
0x3b: {  	_ = 	snop  }
0x3c: {  	p2 =	seq.s32 s10, $0x1;
	s10 =	sld [smem:$0x3FB7]  }
0x3d: {  	_ =	shalt  }
0x3e: {  	_ =	shalt  }
0x3f: {  	_ =	shalt  }
0x40: {  	_ =	shalt  }
0x41: {  	_ =	shalt  }
0x42: {  	_ =	shalt  }
0x43: {  	_ =	shalt  }
0x44: {  	_ =	shalt  }
0x45: {  	_ =	shalt  }
0x46: {  	_ =	shalt  }
0x47: {  	_ =	shalt  }
0x48: {  	_ =	shalt  }
0x49: {  	_ =	shalt  }
0x4a: {  	_ =	shalt  }
0x4b: {  	_ =	shalt  }
0x4c: {  	_ =	shalt  }
0x4d: {  	_ =	shalt  }
0x4e: {  	_ =	shalt  }
0x4f: {  	_ =	shalt  }
0x50: {  	_ =	shalt  }
0x51: {  	_ =	shalt  }
0x52: {  	_ =	shalt  }
0x53: {  	_ =	shalt  }
0x54: {  	_ =	shalt  }
0x55: {  	_ =	shalt  }
0x56: {  	_ =	shalt  }
0x57: {  	_ =	shalt  }
0x58: {  	_ =	shalt  }
0x59: {  	_ =	shalt  }
0x5a: {  	_ =	shalt  }
0x5b: {  	_ =	shalt  }
0x5c: {  	_ =	shalt  }
0x5d: {  	_ =	shalt  }
0x5e: {  	_ =	shalt  }
0x5f: {  	_ =	shalt  }
0x60: {  	_ =	shalt  }
0x61: {  	_ =	shalt  }
0x62: {  	_ =	shalt  }
0x63: {  	_ =	shalt  }
0x64: {  	_ =	shalt  }
0x65: {  	_ =	shalt  }
0x66: {  	_ =	shalt  }
0x67: {  	_ =	shalt  }
0x68: {  	_ =	shalt  }
0x69: {  	_ =	shalt  }
0x6a: {  	_ =	shalt  }
0x6b: {  	_ =	shalt  }
0x6c: {  	_ =	shalt  }
0x6d: {  	_ =	shalt  }
0x6e: {  	_ =	shalt  }
0x6f: {  	_ =	shalt  }
0x70: {  	_ =	shalt  }
0x71: {  	_ =	shalt  }
0x72: {  	_ =	shalt  }
0x73: {  	_ =	shalt  }
0x74: {  	_ =	shalt  }
0x75: {  	_ =	shalt  }
0x76: {  	_ =	shalt  }
0x77: {  	_ =	shalt  }
0x78: {  	_ =	shalt  }
0x79: {  	_ =	shalt  }
0x7a: {  	_ =	shalt  }
0x7b: {  	_ =	shalt  }
0x7c: {  	_ =	shalt  }
0x7d: {  	_ =	shalt  }
0x7e: {  	_ =	shalt  }
0x7f: {  	_ =	shalt  }
0x80: {  	_ =	shalt  }
0x81: {  	_ =	shalt  }
0x82: {  	_ =	shalt  }
0x83: {  	_ =	shalt  }
0x84: {  	_ =	shalt  }
0x85: {  	_ =	shalt  }
0x86: {  	_ =	shalt  }
0x87: {  	_ =	shalt  }
.Lfunc_end0:
.L_simem_size_0:
called_computation_lowered:
.L_overlay_start_0:
0x88: {  	s2 =	sld [smem:$0x3FD9]  }
0x89: {  	s3 =	sld [smem:$0x3FFE];
	_ =	sdelay $0x1  }
0x8a: {  	s1 =	srdreg.scid  }
0x8b: {  	s0 =	sand.u32 $0x1, s1  }
0x8c: {  	s17 =	sshll.u32 s0, $0xA;
	s2 =	sadd.s32 s3, s2  }
0x8d: {  	s2 =	sadd.s32 s2, s17  }
0x8e: {  	[smem:$0x3FC3] =	sst s2  }
0x8f: {  	_ = 	snop  }
0x90: {  	s2 =	sld [smem:$0x3FD0];
	(tm) =	ssettm $0x1  }
0x91: {  	s18 =	sld [smem:$0x3FFB];
	_ =	sdelay $0x3  }
0x92: {  	_ =	strace s18  }
0x93: {  	s3 =	sld [smem:$0x3FFC];
	_ =	sdelay $0x3  }
0x94: {  	_ =	strace s3  }
0x95: {  	s3 =	sld [smem:$0x3FFD];
	_ =	sdelay $0x3  }
0x96: {  	_ =	strace s3  }
0x97: {  	_ =	strace $0x8FFFFFFF  }
0x98: {  	s19 =	sld [smem:$0x3FDB];
	_ =	sdelay $0x1  }
0x99: {  	s4 =	simm.s32 $_scs_section_size  }
0x9a: {  	s5 =	simm.s32 $_size__tile_overlayer_lowered;
	s6 =	simm.s32 $_tile_overlayer_lowered  }
0x9b: {  	s22 =	simm.s32 $0x1BFF;
	s21 =	sshll.u32 s6, $0x1;
	s3 =	sadd.s32 s4, s19  }
0x9c: {  	s7 =	simm.s32 $0x0;
	s20 =	sshll.u32 s5, $0x1;
	s5 =	sadd.s32 s21, s3  }
0x9d: {  	[timem:s7], [sflag:s22] =	dma.local [hbm:s5], s20  }
0x9e: {  	_ =	swait.ge [sflag:s22], s20  }
0x9f: {  	s4 =	ssub.s32 $0x0, s20;
	[sflag:s22] =	ssyncset.done $0x0  }
0xa0: {  	[sflag:s22] =	ssyncadd.s32 s4;
	_ =	sdelay $0x1  }
0xa1: {  	s23 =	simm.s32 $0x1B8B  }
0xa2: {  	_ =	swait.ge [sflag:s23], $0x1  }
0xa3: {  	[sflag:s23] =	ssyncset.done $0x0  }
0xa4: {  	s25 =	simm.s32 $0x1B8E;
	s24 =	sld [smem:$0x3FFE];
	[sflag:s23] =	ssyncadd.s32 $0xFFFFFFFF  }
0xa5: {  	s26 =	simm.s32 $execute0_lowered;
	[smem:$0x3FD2] =	sst s25  }
0xa6: {  	s5 =	sshll.u32 s26, $0x1;
	_ =	strace $0x80000046;
	[dreg:$0x1] =	wrdreg $0xFFFFFFFF  }
0xa7: {  	s28 =	simm.s32 $_size_execute0_lowered;
	s3 =	sadd.s32 s3, s5;
	[dreg:$0x0] =	wrdreg $0x0  }
0xa8: {  	s5 =	sshll.u32 s28, $0x1;
	[dreg:$0x2] =	wrdreg s3  }
0xa9: {  	[dreg:$0x3] =	wrdreg s5  }
0xaa: {  	[dreg:$0x4] =	wrdreg $0xC0  }
0xab: {  	_ =	task [dreg:s7], $0x5FFFF  }
0xac: {  	[dreg:$0x1] =	wrdreg $0xFFFFFFFF  }
0xad: {  	[dreg:$0x0] =	wrdreg $0x60  }
0xae: {  	[dreg:$0x2] =	wrdreg s2  }
0xaf: {  	[dreg:$0x3] =	wrdreg s24  }
0xb0: {  	[dreg:$0x4] =	wrdreg $0xA2000  }
0xb1: {  	[dreg:$0x5] =	wrdreg $0x9  }
0xb2: {  	_ =	task.clear_ibuf [dreg:s7], $0x6FFFF;
	_ =	strace $0x90000046  }
0xb3: {  	s29 =	simm.s32 $0x9;
	_ =	strace $0x80000048  }
0xb4: {  	_ =	swait.ge [sflag:s29], $0x1  }
0xb5: {  	[sflag:s29] =	ssyncadd.s32 $0xFFFFFFFF  }
0xb6: {  	_ =	strace $0x90000048  }
0xb7: {  	_ =	sfence  }
0xb8: {  	s30 =	sld [smem:$0x0];
	_ =	sdelay $0x2  }
0xb9: {  	s31 =	sshll.u32 s1, $0xD;
	s1 =	sshrl.u32 s1, $0x2  }
0xba: {  	s3 =	sand.u32 $0x4000, s31;
	s1 =	sadd.s32 s1, s30  }
0xbb: {  	s0 =	sor.u32 s3, s0;
	s1 =	sshll.u32 s1, $0x11  }
0xbc: {  	s0 =	sor.u32 s1, s0  }
0xbd: {  	s0 =	sadd.s32 $0x8F2B, s0  }
0xbe: {  	[sflag:s0] =	ssyncadd.remote.s32 $0x1  }
0xbf: {  	_ =	sfence.sel $0xFFFF  }
0xc0: {  	[dreg:$0x0] =	wrdreg $0xFFFFFFFF;
	(pc) =	sbr.abs _section_cstart, $3  }
0xc1: {  	[dreg:$0x1] =	wrdreg $0xFFFFFFFF  }
0xc2: {  	_ =	task.clear_ibuf [dreg:s7], $0x2FFFF;
	_ =	strace $0x9FFFFFFF  }
0xc3: {  	(tm) =	ssettm $0x7FFFFFFF  }
tec
execute0_lowered:
.L_overlay_start_1:
0x0: {  	(tag) =	ssettag $0x1  }
0x1: {  	s1 =	rddreg [dreg:$0x0]  }
0x2: {  	s0 =	rddreg [dreg:$0x1]  }
0x3: {  	s2 =	rddreg [dreg:$0x2]  }
0x4: {  	s4 =	simm.s32 $0x0;
	s3 =	srdreg.scid;
	s14 =	stileid.u32  }
0x5: {  	s28 =	simm.s32 $0x5;
	s29 =	simm.s32 $0x7;
	s30 =	simm.s32 $0x50  }
0x6: {  	s31 =	simm.s32 $0x2A00;
	[smem:$0x7FF] =	sst s4;
	s3 =	sand.u32 $0x1, s3  }
0x7: {  	s7 =	smul.u32 $0x4E000, s14;
	s5 =	sadd.s32 $0xA400, s0;
	s6 =	sadd.s32 $0x600, s0  }
0x8: {  	s0 =	sadd.s32 $0x14200, s0;
	s10 =	smul.u32 $0x2700, s14;
	p0 =	sne.s32 s14, $0xF  }
0x9: {  	_ =	strace $0x80000047;
	s8 =	ssub.s32 $0x2, s3;
	s15 =	sshll.u32 s3, $0x4  }
0xa: {  	s12 =	smul.u32 $0x27100, s3;
	s9 =	sshrl.u32 s8, $0x1;
	s7 =	sshrl.u32 s7, $0x2  }
0xb: {  	s3 =	smul.u32 $0x138800, s3;
	s8 =	ssub.s32 s8, s9;
	s7 =	sadd.s32 s7, s2  }
0xc: {  	s9 =	sor.u32 s14, s15;
	s15 =	sadd.s32 $0x138000, s2;
	s11 =	sadd.s32 $0x2800, s7  }
0xd: {  	s10 =	sadd.s32 s10, s12;
	s16 =	sadd.s32 $0x5000, s7;
	[dreg:$0x4] =	wrdreg s11  }
0xe: {  	s3 =	sshrl.u32 s3, $0x3;
	s17 =	sadd.s32 $0x7800, s7;
	[dreg:$0x5] =	wrdreg s16  }
0xf: {  	s12 =	simm.s32 $0x2;
	s18 =	sadd.s32 $0xA000, s7;
	[dreg:$0x6] =	wrdreg s17  }
0x10: {  	s14 =	simm.s32 $0x8;
	s19 =	sadd.s32 $0xC800, s7;
	[dreg:$0x7] =	wrdreg s18  }
0x11: {  	s9 =	smul.u32 $0x2710, s9;
	s20 =	sadd.s32 $0xF000, s7;
	[dreg:$0x8] =	wrdreg s19  }
0x12: {  	s21 =	sadd.s32 $0x11800, s7;
	s25 =	sadd.s32 s0, s10;
	[dreg:$0x9] =	wrdreg s20  }
0x13: {  	s0 =	sadd.s32 s0, s3;
	s26 =	smax.u32 s8, $0x1;
	[dreg:$0xa] =	wrdreg s21  }
0x14: {  	s3 =	simm.s32 $0x180;
	s8 =	simm.s32 $0x3;
	[dreg:$0xf] =	wrdreg s25  }
0x15: {  	s10 =	simm.s32 $0x5200;
	s0 =	sadd.s32 $0x27000, s0;
	[dreg:$0x11] =	wrdreg s26  }
0x16: {  	s25 =	simm.s32 $0x9;
	s26 =	simm.s32 $0x80;
	s17 =	simm.s32 $0x0  }
0x17: {  	s22 =	sshrl.u32 s9, $0x3;
	s20 =	sadd.s32 $0xA0, s9;
	[dreg:$0x10] =	wrdreg s0  }
0x18: {  	s0 =	simm.s32 $0x100;
	s9 =	simm.s32 $0x4;
	s16 =	sadd.s32 s5, s22  }
0x19: {  	s13 =	sadd.s32 $0xA, s22;
	s11 =	sadd.s32 s6, s22;
	[dreg:$0xb] =	wrdreg s16  }
0x1a: {  	[dreg:$0xc] =	wrdreg s11;
	s23 =	sadd.s32 s5, s13;
	s24 =	sadd.s32 s6, s13  }
0x1b: {  	s11 =	simm.s32 $0x1;
	s13 =	simm.s32 $0x6;
	[dreg:$0xd] =	wrdreg s23  }
0x1c: {  	v0 =	vimm.f32 $0.0e+00;
	s16 =	simm.s32 $0x7A00;
	[dreg:$0xe] =	wrdreg s24;
	s24 =	simm.s32 $0x200  }
.LBB2_1:
0x1d: {  	s18 =	simm.s32 $0x0;
	s19 =	simm.s32 $0x200  }
.LBB2_2:
0x1e: {  	p1 =	sne.s32 s19, $0x9E00;
	[tilespmem:s18+$0x270] =	vst v0  }
0x1f: {  	[tilespmem:s18+$0x200] =	vst v0  }
0x20: {  	[tilespmem:s18+$0x210] =	vst v0  }
.Ltmp0:
0x21: {  	[tilespmem:s18+$0x220] =	vst v0;
	(pc) =	sbr.rel @p1 .LBB2_2-.Ltmp0, $4  }
0x22: {  	[tilespmem:s18+$0x230] =	vst v0  }
0x23: {  	[tilespmem:s18+$0x240] =	vst v0  }
0x24: {  	[tilespmem:s18+$0x250] =	vst v0  }
0x25: {  	[tilespmem:s18+$0x260] =	vst v0;
	s18 =	sshra.s32 s19, $0x2;
	s19 =	sadd.s32 $0x200, s19  }
0x26: {  	[tilespmem:s18+$0x270] =	vst v0  }
0x27: {  	[tilespmem:s18+$0x200] =	vst v0  }
0x28: {  	[tilespmem:s18+$0x210] =	vst v0  }
0x29: {  	[tilespmem:s18+$0x220] =	vst v0  }
0x2a: {  	[tilespmem:s18+$0x230] =	vst v0  }
0x2b: {  	[tilespmem:s18+$0x240] =	vst v0  }
0x2c: {  	[tilespmem:s18+$0x250] =	vst v0  }
0x2d: {  	[tilespmem:s18+$0x260] =	vst v0  }
0x2e: {  	[spmem:s7] =	stream.linear.scatter [tilespmem:s24], [sflag:$0x9], $0x2800, $0x38;
	[tilespmem:$0x1DA80] =	vst v63  }
0x2f: {  	_ =	swait.ge [sflag:s25], $0x2800  }
0x30: {  	[sflag:s25] =	ssyncset.done $0x0  }
0x31: {  	s22 =	rddreg [dreg:$0x4];
	[sflag:s25] =	ssyncadd.s32 $0xFFFFD800  }
0x32: {  	[spmem:s22] =	stream.linear.scatter [tilespmem:s24], [sflag:$0x9], $0x2800, $0x38;
	[tilespmem:$0x1DA80] =	vst v63  }
0x33: {  	_ =	swait.ge [sflag:s25], $0x2800  }
0x34: {  	[sflag:s25] =	ssyncset.done $0x0  }
0x35: {  	s23 =	rddreg [dreg:$0x5];
	[sflag:s25] =	ssyncadd.s32 $0xFFFFD800  }
0x36: {  	[spmem:s23] =	stream.linear.scatter [tilespmem:s24], [sflag:$0x9], $0x2800, $0x38;
	[tilespmem:$0x1DA80] =	vst v63  }
0x37: {  	_ =	swait.ge [sflag:s25], $0x2800  }
0x38: {  	[sflag:s25] =	ssyncset.done $0x0  }
0x39: {  	s19 =	rddreg [dreg:$0x6];
	[sflag:s25] =	ssyncadd.s32 $0xFFFFD800  }
0x3a: {  	[spmem:s19] =	stream.linear.scatter [tilespmem:s24], [sflag:$0x9], $0x2800, $0x38;
	[tilespmem:$0x1DA80] =	vst v63  }
0x3b: {  	_ =	swait.ge [sflag:s25], $0x2800  }
0x3c: {  	[sflag:s25] =	ssyncset.done $0x0  }
0x3d: {  	s21 =	rddreg [dreg:$0x7];
	[sflag:s25] =	ssyncadd.s32 $0xFFFFD800  }
0x3e: {  	[spmem:s21] =	stream.linear.scatter [tilespmem:s24], [sflag:$0x9], $0x2800, $0x38;
	[tilespmem:$0x1DA80] =	vst v63  }
0x3f: {  	_ =	swait.ge [sflag:s25], $0x2800  }
0x40: {  	[sflag:s25] =	ssyncset.done $0x0  }
0x41: {  	s22 =	rddreg [dreg:$0x8];
	[sflag:s25] =	ssyncadd.s32 $0xFFFFD800  }
0x42: {  	[spmem:s22] =	stream.linear.scatter [tilespmem:s24], [sflag:$0x9], $0x2800, $0x38;
	[tilespmem:$0x1DA80] =	vst v63  }
0x43: {  	_ =	swait.ge [sflag:s25], $0x2800  }
0x44: {  	[sflag:s25] =	ssyncset.done $0x0  }
0x45: {  	s23 =	rddreg [dreg:$0x9];
	[sflag:s25] =	ssyncadd.s32 $0xFFFFD800  }
0x46: {  	[spmem:s23] =	stream.linear.scatter [tilespmem:s24], [sflag:$0x9], $0x2800, $0x38;
	[tilespmem:$0x1DA80] =	vst v63  }
0x47: {  	_ =	swait.ge [sflag:s25], $0x2800  }
0x48: {  	[sflag:s25] =	ssyncset.done $0x0  }
0x49: {  	s19 =	rddreg [dreg:$0xa];
	[sflag:s25] =	ssyncadd.s32 $0xFFFFD800  }
0x4a: {  	[spmem:s19] =	stream.linear.scatter [tilespmem:s24], [sflag:$0x9], $0x2000, $0x38;
	[tilespmem:$0x1DA80] =	vst v63  }
0x4b: {  	_ =	swait.ge [sflag:s25], $0x2000  }
0x4c: {  	[sflag:s25] =	ssyncset.done $0x0  }
0x4d: {  	s18 =	simm.s32 @!p0 $0x200;
	[sflag:s25] =	ssyncadd.s32 $0xFFFFE000  }
0x4e: {  	[spmem:s15] =	stream.linear.scatter @!p0 [tilespmem:s18], [sflag:$0x9], $0x800, $0x38;
	[tilespmem:$0x1DA80] =	vst v63  }
0x4f: {  	s18 =	simm.s32 @!p0 $0x9  }
0x50: {  	_ =	swait.ge @!p0 [sflag:s18], $0x800  }
0x51: {  	[sflag:s18] =	ssyncset.done @!p0 $0x0  }
0x52: {  	[sflag:s18] =	ssyncadd.s32 @!p0 $0xFFFFF800  }
0x53: {  	[bflag:$0x0] =	sbarrier.arrive $0xFFFF  }
0x54: {  	s18 =	simm.s32 $0x0;
	s19 =	rddreg [dreg:$0xb]  }
0x55: {  	[tilespmem:s18], [sflag:$0x5] =	stream.linear.gather [hbm4b:s19+s18], $0x50, $0x38;
	[tilespmem:$0x1DA80] =	vst v63  }
0x56: {  	s21 =	rddreg [dreg:$0xc]  }
0x57: {  	[tilespmem:s26], [sflag:$0x7] =	stream.linear.gather [hbm4b:s21+s18], $0x50, $0x38;
	[tilespmem:$0x1DA80] =	vst v63  }
0x58: {  	_ =	swait.ge [sflag:s28], $0x50  }
0x59: {  	[sflag:s28] =	ssyncset.done $0x0  }
0x5a: {  	[sflag:s28] =	ssyncadd.s32 $0xFFFFFFB0  }
0x5b: {  	_ =	swait.ge [sflag:s29], $0x50  }
0x5c: {  	[sflag:s29] =	ssyncset.done $0x0  }
0x5d: {  	[sflag:s29] =	ssyncadd.s32 $0xFFFFFFB0  }
0x5e: {  	[tilespmem:s24], [sflag:$0x1] =	stream.indirect.gather [hbm4b:s1+s30], $0x80, s18, s30, $0xb8;
	[tilespmem:$0x1DA80] =	vst v63  }
0x5f: {  	_ = 	snop  }
0x60: {  	[tilespmem:s31], [sflag:$0x2] =	stream.indirect.gather [hbm4b:s1+s30], $0x80, s26, s30, $0xb8;
	[tilespmem:$0x1DA80] =	vst v63  }
.Ltmp1:
0x61: {  	_ = 	snop;
	(pc) =	sbr.rel .LBB2_4-.Ltmp1, $4  }
0x62: {  	s22 =	rddreg [dreg:$0xd]  }
0x63: {  	[tilespmem:s0], [sflag:$0x6] =	stream.linear.gather [hbm4b:s22+s18], $0x50, $0x38;
	[tilespmem:$0x1DA80] =	vst v63  }
0x64: {  	s23 =	rddreg [dreg:$0xe]  }
0x65: {  	[tilespmem:s3], [sflag:$0x8] =	stream.linear.gather [hbm4b:s23+s18], $0x50, $0x38;
	[tilespmem:$0x1DA80] =	vst v63  }
.LBB2_7:
0x66: {  	v2 =	vsub.f32 v2, v4  }
0x67: {  	[tilespmem:s19+$0xF0] =	vst v7;
	v3 =	vsub.f32 v3, v5  }
0x68: {  	v1 =	vsub.f32 v1, v6;
	[tilespmem:s19+$0xFFFFFFF0] =	vst v2  }
0x69: {  	[tilespmem:s19+$0x70] =	vst v3  }
0x6a: {  	s23 =	smul.u32 $0x50, s18;
	[tilespmem:s19+$0xFFFFFF70] =	vst v1  }
0x6b: {  	[spmem:s2] =	stream.indirect.scatter.add.f32 [tilespmem:s24], [sflag:$0x9], $0x80, s26, s30, $0xb8;
	[tilespmem:$0x1DA80] =	vst v63  }
0x6c: {  	s19 =	sadd.s32 s23, s20;
	_ =	swait.ge [sflag:s25], $0x2800  }
0x6d: {  	s19 =	sshrl.u32 s19, $0x3;
	[sflag:s25] =	ssyncset.done $0x0  }
0x6e: {  	s21 =	sadd.s32 s5, s19;
	[sflag:s25] =	ssyncadd.s32 $0xFFFFD800  }
0x6f: {  	[tilespmem:s4], [sflag:$0x5] =	stream.linear.gather [hbm4b:s21+s4], $0x50, $0x38;
	[tilespmem:$0x1DA80] =	vst v63  }
0x70: {  	s19 =	sadd.s32 s6, s19  }
0x71: {  	[tilespmem:s26], [sflag:$0x7] =	stream.linear.gather [hbm4b:s19+s4], $0x50, $0x38;
	[tilespmem:$0x1DA80] =	vst v63  }
.LBB2_12:
0x72: {  	s18 =	sadd.s32 $0x1, s18  }
0x73: {  	p1 =	sne.s32 s18, $0x7C  }
.Ltmp2:
0x74: {  	_ = 	snop;
	(pc) =	sbr.rel @!p1 .LBB2_13-.Ltmp2, $1  }
0x75: {  	_ =	sdelay $0x3  }
.LBB2_4:
0x76: {  	s19 =	sand.u32 $0x1, s18  }
0x77: {  	p1 =	seq.s32 s19, $0x1  }
.Ltmp3:
0x78: {  	_ = 	snop;
	(pc) =	sbr.rel @!p1 .LBB2_5-.Ltmp3, $1  }
0x79: {  	_ =	sdelay $0x3  }
0x7a: {  	_ =	swait.ge [sflag:s28], $0x50  }
0x7b: {  	[sflag:s28] =	ssyncset.done $0x0  }
0x7c: {  	[sflag:s28] =	ssyncadd.s32 $0xFFFFFFB0  }
0x7d: {  	_ =	swait.ge [sflag:s29], $0x50  }
0x7e: {  	[sflag:s29] =	ssyncset.done $0x0  }
0x7f: {  	[sflag:s29] =	ssyncadd.s32 $0xFFFFFFB0  }
0x80: {  	[tilespmem:s24], [sflag:$0x1] =	stream.indirect.gather [hbm4b:s1+s30], $0x80, s4, s30, $0xb8;
	[tilespmem:$0x1DA80] =	vst v63  }
0x81: {  	_ = 	snop  }
0x82: {  	[tilespmem:s31], [sflag:$0x2] =	stream.indirect.gather [hbm4b:s1+s30], $0x80, s26, s30, $0xb8;
	[tilespmem:$0x1DA80] =	vst v63  }
0x83: {  	_ =	swait.ge [sflag:s8], $0x2800  }
0x84: {  	[sflag:s8] =	ssyncset.done $0x0  }
0x85: {  	[sflag:s8] =	ssyncadd.s32 $0xFFFFD800  }
0x86: {  	_ =	swait.ge [sflag:s9], $0x2800  }
0x87: {  	[sflag:s9] =	ssyncset.done $0x0  }
0x88: {  	s19 =	simm.s32 $0x5300;
	[sflag:s9] =	ssyncadd.s32 $0xFFFFD800  }
0x89: {  	s21 =	simm.s32 $0x7B00;
	v1 =	vld [tilespmem:s19+$0x80]  }
0x8a: {  	v2 =	vld [tilespmem:s21+$0x80]  }
0x8b: {  	v3 =	vld [tilespmem:s19+$0xFFFFFF80]  }
0x8c: {  	v4 =	vld [tilespmem:s21+$0xFFFFFF80]  }
0x8d: {  	v5 =	vld [tilespmem:s19+$0x0]  }
0x8e: {  	v6 =	vld [tilespmem:s21+$0x0]  }
0x8f: {  	v7 =	vld [tilespmem:s19+$0xFFFFFF00];
	v1 =	vsub.f32 v1, v2  }
0x90: {  	v2 =	vld [tilespmem:s21+$0xFFFFFF00]  }
0x91: {  	[tilespmem:s19+$0x80] =	vst v1;
	v1 =	vld [tilespmem:s19+$0x90]  }
0x92: {  	v3 =	vsub.f32 v3, v4;
	v4 =	vld [tilespmem:s21+$0x90]  }
0x93: {  	v8 =	vld [tilespmem:s19+$0xFFFFFF10]  }
0x94: {  	[tilespmem:s19+$0xFFFFFF80] =	vst v3;
	v3 =	vsub.f32 v5, v6;
	v5 =	vld [tilespmem:s19+$0xFFFFFF90]  }
0x95: {  	v6 =	vld [tilespmem:s21+$0xFFFFFF90];
	v2 =	vsub.f32 v7, v2  }
0x96: {  	[tilespmem:s19+$0x0] =	vst v3;
	v3 =	vld [tilespmem:s19+$0x10]  }
0x97: {  	v7 =	vld [tilespmem:s21+$0x10];
	[tilespmem:s19+$0xFFFFFF00] =	vst v2;
	v1 =	vsub.f32 v1, v4  }
0x98: {  	v2 =	vld [tilespmem:s21+$0xFFFFFF10]  }
0x99: {  	[tilespmem:s19+$0x90] =	vst v1;
	v1 =	vld [tilespmem:s19+$0xA0]  }
0x9a: {  	v4 =	vsub.f32 v5, v6;
	v5 =	vld [tilespmem:s21+$0xA0]  }
0x9b: {  	v6 =	vld [tilespmem:s19+$0xFFFFFF20]  }
0x9c: {  	[tilespmem:s19+$0xFFFFFF90] =	vst v4;
	v3 =	vsub.f32 v3, v7;
	v4 =	vld [tilespmem:s19+$0xFFFFFFA0]  }
0x9d: {  	v7 =	vld [tilespmem:s21+$0xFFFFFFA0];
	v2 =	vsub.f32 v8, v2  }
0x9e: {  	[tilespmem:s19+$0x10] =	vst v3;
	v3 =	vld [tilespmem:s19+$0x20]  }
0x9f: {  	v8 =	vld [tilespmem:s21+$0x20];
	[tilespmem:s19+$0xFFFFFF10] =	vst v2;
	v1 =	vsub.f32 v1, v5  }
0xa0: {  	v2 =	vld [tilespmem:s21+$0xFFFFFF20]  }
0xa1: {  	[tilespmem:s19+$0xA0] =	vst v1;
	v1 =	vld [tilespmem:s19+$0xB0]  }
0xa2: {  	v4 =	vsub.f32 v4, v7;
	v5 =	vld [tilespmem:s21+$0xB0]  }
0xa3: {  	v7 =	vld [tilespmem:s19+$0xFFFFFF30]  }
0xa4: {  	[tilespmem:s19+$0xFFFFFFA0] =	vst v4;
	v3 =	vsub.f32 v3, v8;
	v4 =	vld [tilespmem:s19+$0xFFFFFFB0]  }
0xa5: {  	v8 =	vld [tilespmem:s21+$0xFFFFFFB0];
	v2 =	vsub.f32 v6, v2  }
0xa6: {  	[tilespmem:s19+$0x20] =	vst v3;
	v3 =	vld [tilespmem:s19+$0x30]  }
0xa7: {  	v6 =	vld [tilespmem:s21+$0x30];
	[tilespmem:s19+$0xFFFFFF20] =	vst v2;
	v1 =	vsub.f32 v1, v5  }
0xa8: {  	v2 =	vld [tilespmem:s21+$0xFFFFFF30]  }
0xa9: {  	[tilespmem:s19+$0xB0] =	vst v1;
	v1 =	vld [tilespmem:s19+$0xC0]  }
0xaa: {  	v4 =	vsub.f32 v4, v8;
	v5 =	vld [tilespmem:s21+$0xC0]  }
0xab: {  	v8 =	vld [tilespmem:s19+$0xFFFFFF40]  }
0xac: {  	[tilespmem:s19+$0xFFFFFFB0] =	vst v4;
	v3 =	vsub.f32 v3, v6;
	v4 =	vld [tilespmem:s19+$0xFFFFFFC0]  }
0xad: {  	v6 =	vld [tilespmem:s21+$0xFFFFFFC0];
	v2 =	vsub.f32 v7, v2  }
0xae: {  	[tilespmem:s19+$0x30] =	vst v3;
	v3 =	vld [tilespmem:s19+$0x40]  }
0xaf: {  	v7 =	vld [tilespmem:s21+$0x40];
	[tilespmem:s19+$0xFFFFFF30] =	vst v2;
	v1 =	vsub.f32 v1, v5  }
0xb0: {  	v2 =	vld [tilespmem:s21+$0xFFFFFF40]  }
0xb1: {  	[tilespmem:s19+$0xC0] =	vst v1;
	v1 =	vld [tilespmem:s19+$0xD0]  }
0xb2: {  	v4 =	vsub.f32 v4, v6;
	v5 =	vld [tilespmem:s21+$0xD0]  }
0xb3: {  	v6 =	vld [tilespmem:s19+$0xFFFFFF50]  }
0xb4: {  	[tilespmem:s19+$0xFFFFFFC0] =	vst v4;
	v3 =	vsub.f32 v3, v7;
	v4 =	vld [tilespmem:s19+$0xFFFFFFD0]  }
0xb5: {  	v7 =	vld [tilespmem:s21+$0xFFFFFFD0];
	v2 =	vsub.f32 v8, v2  }
0xb6: {  	[tilespmem:s19+$0x40] =	vst v3;
	v3 =	vld [tilespmem:s19+$0x50]  }
0xb7: {  	v8 =	vld [tilespmem:s21+$0x50];
	[tilespmem:s19+$0xFFFFFF40] =	vst v2;
	v1 =	vsub.f32 v1, v5  }
0xb8: {  	v2 =	vld [tilespmem:s21+$0xFFFFFF50]  }
0xb9: {  	[tilespmem:s19+$0xD0] =	vst v1;
	v1 =	vld [tilespmem:s19+$0xE0]  }
0xba: {  	v4 =	vsub.f32 v4, v7;
	v5 =	vld [tilespmem:s21+$0xE0]  }
0xbb: {  	v7 =	vld [tilespmem:s19+$0xFFFFFF60]  }
0xbc: {  	[tilespmem:s19+$0xFFFFFFD0] =	vst v4;
	v3 =	vsub.f32 v3, v8;
	v4 =	vld [tilespmem:s19+$0xFFFFFFE0]  }
0xbd: {  	v8 =	vld [tilespmem:s21+$0xFFFFFFE0];
	v2 =	vsub.f32 v6, v2  }
0xbe: {  	[tilespmem:s19+$0x50] =	vst v3;
	v3 =	vld [tilespmem:s19+$0x60]  }
0xbf: {  	v6 =	vld [tilespmem:s21+$0x60];
	[tilespmem:s19+$0xFFFFFF50] =	vst v2;
	v1 =	vsub.f32 v1, v5  }
0xc0: {  	v5 =	vld [tilespmem:s21+$0xFFFFFF60]  }
0xc1: {  	v9 =	vld [tilespmem:s19+$0xF0];
	[tilespmem:s19+$0xE0] =	vst v1  }
0xc2: {  	v2 =	vsub.f32 v4, v8;
	v8 =	vld [tilespmem:s21+$0xF0]  }
0xc3: {  	v1 =	vld [tilespmem:s19+$0xFFFFFF70]  }
0xc4: {  	[tilespmem:s19+$0xFFFFFFE0] =	vst v2;
	v3 =	vsub.f32 v3, v6;
	v2 =	vld [tilespmem:s19+$0xFFFFFFF0]  }
0xc5: {  	v4 =	vld [tilespmem:s21+$0xFFFFFFF0];
	v5 =	vsub.f32 v7, v5  }
0xc6: {  	[tilespmem:s19+$0x60] =	vst v3;
	v3 =	vld [tilespmem:s19+$0x70]  }
0xc7: {  	[tilespmem:s19+$0xFFFFFF60] =	vst v5;
	v5 =	vld [tilespmem:s21+$0x70];
	v7 =	vsub.f32 v9, v8  }
0xc8: {  	s22 =	simm.s32 $0x0;
	s23 =	simm.s32 $0x5500;
	v6 =	vld [tilespmem:s21+$0xFFFFFF70]  }
.LBB2_9:
0xc9: {  	v8 =	vld [tilespmem:s23+$0x80];
	[tilespmem:s19+$0xF0] =	vst v7;
	s21 =	sadd.s32 $0x200, s21  }
0xca: {  	s22 =	sadd.s32 $0x4, s22;
	v7 =	vld [tilespmem:s21+$0x80];
	v2 =	vsub.f32 v2, v4  }
0xcb: {  	p1 =	slt.u32 s22, $0x4C;
	v4 =	vld [tilespmem:s21+$0xFFFFFF00]  }
0xcc: {  	v9 =	vld [tilespmem:s23+$0xFFFFFF80];
	[tilespmem:s19+$0xFFFFFFF0] =	vst v2;
	v2 =	vsub.f32 v3, v5  }
0xcd: {  	v3 =	vld [tilespmem:s21+$0xFFFFFF80];
	v1 =	vsub.f32 v1, v6  }
0xce: {  	v5 =	vld [tilespmem:s23+$0x0];
	[tilespmem:s19+$0x70] =	vst v2  }
0xcf: {  	v2 =	vld [tilespmem:s21+$0x0];
	v6 =	vsub.f32 v8, v7;
	[tilespmem:s19+$0xFFFFFF70] =	vst v1;
	s19 =	smov.u32 s23  }
0xd0: {  	v1 =	vld [tilespmem:s23+$0xFFFFFF00]  }
0xd1: {  	[tilespmem:s23+$0x80] =	vst v6;
	v6 =	vld [tilespmem:s23+$0x90]  }
0xd2: {  	v3 =	vsub.f32 v9, v3;
	v7 =	vld [tilespmem:s21+$0x90]  }
0xd3: {  	v8 =	vld [tilespmem:s23+$0xFFFFFF10]  }
0xd4: {  	[tilespmem:s23+$0xFFFFFF80] =	vst v3;
	v3 =	vld [tilespmem:s23+$0xFFFFFF90];
	v2 =	vsub.f32 v5, v2  }
0xd5: {  	v1 =	vsub.f32 v1, v4;
	v4 =	vld [tilespmem:s21+$0xFFFFFF90]  }
0xd6: {  	[tilespmem:s23+$0x0] =	vst v2;
	v2 =	vld [tilespmem:s23+$0x10]  }
0xd7: {  	[tilespmem:s23+$0xFFFFFF00] =	vst v1;
	v1 =	vld [tilespmem:s21+$0x10];
	v5 =	vsub.f32 v6, v7  }
0xd8: {  	v6 =	vld [tilespmem:s21+$0xFFFFFF10]  }
0xd9: {  	[tilespmem:s23+$0x90] =	vst v5;
	v5 =	vld [tilespmem:s23+$0xA0]  }
0xda: {  	v3 =	vsub.f32 v3, v4;
	v4 =	vld [tilespmem:s21+$0xA0]  }
0xdb: {  	v7 =	vld [tilespmem:s23+$0xFFFFFF20]  }
0xdc: {  	[tilespmem:s23+$0xFFFFFF90] =	vst v3;
	v3 =	vld [tilespmem:s23+$0xFFFFFFA0];
	v1 =	vsub.f32 v2, v1  }
0xdd: {  	v2 =	vsub.f32 v8, v6;
	v6 =	vld [tilespmem:s21+$0xFFFFFFA0]  }
0xde: {  	[tilespmem:s23+$0x10] =	vst v1;
	v1 =	vld [tilespmem:s23+$0x20]  }
0xdf: {  	[tilespmem:s23+$0xFFFFFF10] =	vst v2;
	v2 =	vld [tilespmem:s21+$0x20];
	v4 =	vsub.f32 v5, v4  }
0xe0: {  	v5 =	vld [tilespmem:s21+$0xFFFFFF20]  }
0xe1: {  	[tilespmem:s23+$0xA0] =	vst v4;
	v4 =	vld [tilespmem:s23+$0xB0]  }
0xe2: {  	v3 =	vsub.f32 v3, v6;
	v6 =	vld [tilespmem:s21+$0xB0]  }
0xe3: {  	v8 =	vld [tilespmem:s23+$0xFFFFFF30]  }
0xe4: {  	[tilespmem:s23+$0xFFFFFFA0] =	vst v3;
	v3 =	vld [tilespmem:s23+$0xFFFFFFB0];
	v1 =	vsub.f32 v1, v2  }
0xe5: {  	v2 =	vsub.f32 v7, v5;
	v5 =	vld [tilespmem:s21+$0xFFFFFFB0]  }
0xe6: {  	[tilespmem:s23+$0x20] =	vst v1;
	v1 =	vld [tilespmem:s23+$0x30]  }
0xe7: {  	[tilespmem:s23+$0xFFFFFF20] =	vst v2;
	v2 =	vld [tilespmem:s21+$0x30];
	v4 =	vsub.f32 v4, v6  }
0xe8: {  	v6 =	vld [tilespmem:s21+$0xFFFFFF30]  }
0xe9: {  	[tilespmem:s23+$0xB0] =	vst v4;
	v4 =	vld [tilespmem:s23+$0xC0]  }
0xea: {  	v3 =	vsub.f32 v3, v5;
	v5 =	vld [tilespmem:s21+$0xC0]  }
0xeb: {  	v7 =	vld [tilespmem:s23+$0xFFFFFF40]  }
0xec: {  	[tilespmem:s23+$0xFFFFFFB0] =	vst v3;
	v3 =	vld [tilespmem:s23+$0xFFFFFFC0];
	v1 =	vsub.f32 v1, v2  }
0xed: {  	v2 =	vsub.f32 v8, v6;
	v6 =	vld [tilespmem:s21+$0xFFFFFFC0]  }
0xee: {  	[tilespmem:s23+$0x30] =	vst v1;
	v1 =	vld [tilespmem:s23+$0x40]  }
0xef: {  	[tilespmem:s23+$0xFFFFFF30] =	vst v2;
	v2 =	vld [tilespmem:s21+$0x40];
	v4 =	vsub.f32 v4, v5  }
0xf0: {  	v5 =	vld [tilespmem:s21+$0xFFFFFF40]  }
0xf1: {  	[tilespmem:s23+$0xC0] =	vst v4;
	v4 =	vld [tilespmem:s23+$0xD0]  }
0xf2: {  	v3 =	vsub.f32 v3, v6;
	v6 =	vld [tilespmem:s21+$0xD0]  }
0xf3: {  	v8 =	vld [tilespmem:s23+$0xFFFFFF50]  }
0xf4: {  	[tilespmem:s23+$0xFFFFFFC0] =	vst v3;
	v3 =	vld [tilespmem:s23+$0xFFFFFFD0];
	v1 =	vsub.f32 v1, v2  }
0xf5: {  	v2 =	vsub.f32 v7, v5;
	v5 =	vld [tilespmem:s21+$0xFFFFFFD0]  }
0xf6: {  	[tilespmem:s23+$0x40] =	vst v1;
	v1 =	vld [tilespmem:s23+$0x50]  }
0xf7: {  	[tilespmem:s23+$0xFFFFFF40] =	vst v2;
	v2 =	vld [tilespmem:s21+$0x50];
	v4 =	vsub.f32 v4, v6  }
0xf8: {  	v6 =	vld [tilespmem:s21+$0xFFFFFF50]  }
0xf9: {  	[tilespmem:s23+$0xD0] =	vst v4;
	v4 =	vld [tilespmem:s23+$0xE0]  }
0xfa: {  	v3 =	vsub.f32 v3, v5;
	v5 =	vld [tilespmem:s21+$0xE0]  }
0xfb: {  	v7 =	vld [tilespmem:s23+$0xFFFFFF60]  }
0xfc: {  	[tilespmem:s23+$0xFFFFFFD0] =	vst v3;
	v3 =	vld [tilespmem:s23+$0xFFFFFFE0];
	v1 =	vsub.f32 v1, v2  }
0xfd: {  	v2 =	vsub.f32 v8, v6;
	v6 =	vld [tilespmem:s21+$0xFFFFFFE0]  }
0xfe: {  	[tilespmem:s23+$0x50] =	vst v1;
	v8 =	vld [tilespmem:s23+$0x60]  }
0xff: {  	[tilespmem:s23+$0xFFFFFF50] =	vst v2;
	v9 =	vld [tilespmem:s21+$0x60];
	v1 =	vsub.f32 v4, v5  }
0x100: {  	v4 =	vld [tilespmem:s21+$0xFFFFFF60]  }
0x101: {  	[tilespmem:s23+$0xE0] =	vst v1;
	v10 =	vld [tilespmem:s23+$0xF0]  }
0x102: {  	v2 =	vsub.f32 v3, v6;
	v6 =	vld [tilespmem:s21+$0xF0]  }
0x103: {  	v1 =	vld [tilespmem:s23+$0xFFFFFF70]  }
.Ltmp4:
0x104: {  	[tilespmem:s23+$0xFFFFFFE0] =	vst v2;
	v2 =	vld [tilespmem:s23+$0xFFFFFFF0];
	v3 =	vsub.f32 v8, v9;
	(pc) =	sbr.rel @p1 .LBB2_9-.Ltmp4, $4  }
0x105: {  	v5 =	vsub.f32 v7, v4;
	v4 =	vld [tilespmem:s21+$0xFFFFFFF0]  }
0x106: {  	[tilespmem:s23+$0x60] =	vst v3;
	v3 =	vld [tilespmem:s23+$0x70]  }
0x107: {  	[tilespmem:s23+$0xFFFFFF60] =	vst v5;
	v5 =	vld [tilespmem:s21+$0x70];
	v7 =	vsub.f32 v10, v6  }
0x108: {  	s23 =	sadd.s32 $0x200, s23;
	v6 =	vld [tilespmem:s21+$0xFFFFFF70]  }
0x109: {  	_ =	sdelay $0x1  }
0x10a: {  	v2 =	vsub.f32 v2, v4  }
0x10b: {  	[tilespmem:s19+$0xF0] =	vst v7;
	v3 =	vsub.f32 v3, v5  }
0x10c: {  	[tilespmem:s19+$0xFFFFFFF0] =	vst v2;
	v1 =	vsub.f32 v1, v6  }
0x10d: {  	p1 =	seq.s32 s18, $0x7B;
	[tilespmem:s19+$0x70] =	vst v3  }
.Ltmp5:
0x10e: {  	[tilespmem:s19+$0xFFFFFF70] =	vst v1;
	(pc) =	sbr.rel @p1 .LBB2_13-.Ltmp5, $4  }
0x10f: {  	[spmem:s2] =	stream.indirect.scatter.add.f32 [tilespmem:s10], [sflag:$0x9], $0x80, s3, s30, $0xb8;
	[tilespmem:$0x1DA80] =	vst v63  }
0x110: {  	_ =	swait.ge [sflag:s25], $0x2800  }
0x111: {  	[sflag:s25] =	ssyncset.done $0x0  }
0x112: {  	[sflag:s25] =	ssyncadd.s32 $0xFFFFD800  }
0x113: {  	s19 =	smul.u32 $0x50, s18;
	_ =	sdelay $0x1  }
0x114: {  	s19 =	sadd.s32 s19, s20  }
.Ltmp6:
0x115: {  	s19 =	sshrl.u32 s19, $0x3;
	(pc) =	sbr.rel .LBB2_12-.Ltmp6, $4  }
0x116: {  	s21 =	sadd.s32 s5, s19  }
0x117: {  	[tilespmem:s0], [sflag:$0x6] =	stream.linear.gather [hbm4b:s21+s4], $0x50, $0x38;
	[tilespmem:$0x1DA80] =	vst v63  }
0x118: {  	s19 =	sadd.s32 s6, s19  }
0x119: {  	[tilespmem:s3], [sflag:$0x8] =	stream.linear.gather [hbm4b:s19+s4], $0x50, $0x38;
	[tilespmem:$0x1DA80] =	vst v63  }
.LBB2_5:
0x11a: {  	_ =	swait.ge [sflag:s13], $0x50  }
0x11b: {  	[sflag:s13] =	ssyncset.done $0x0  }
0x11c: {  	[sflag:s13] =	ssyncadd.s32 $0xFFFFFFB0  }
0x11d: {  	_ =	swait.ge [sflag:s14], $0x50  }
0x11e: {  	[sflag:s14] =	ssyncset.done $0x0  }
0x11f: {  	[sflag:s14] =	ssyncadd.s32 $0xFFFFFFB0  }
0x120: {  	[tilespmem:s10], [sflag:$0x3] =	stream.indirect.gather [hbm4b:s1+s30], $0x80, s0, s30, $0xb8;
	[tilespmem:$0x1DA80] =	vst v63  }
0x121: {  	_ = 	snop  }
0x122: {  	[tilespmem:s16], [sflag:$0x4] =	stream.indirect.gather [hbm4b:s1+s30], $0x80, s3, s30, $0xb8;
	[tilespmem:$0x1DA80] =	vst v63  }
0x123: {  	_ =	swait.ge [sflag:s11], $0x2800  }
0x124: {  	[sflag:s11] =	ssyncset.done $0x0  }
0x125: {  	[sflag:s11] =	ssyncadd.s32 $0xFFFFD800  }
0x126: {  	_ =	swait.ge [sflag:s12], $0x2800  }
0x127: {  	[sflag:s12] =	ssyncset.done $0x0  }
0x128: {  	s19 =	simm.s32 $0x300;
	[sflag:s12] =	ssyncadd.s32 $0xFFFFD800  }
0x129: {  	s21 =	simm.s32 $0x2B00;
	v1 =	vld [tilespmem:s19+$0x80]  }
0x12a: {  	v2 =	vld [tilespmem:s21+$0x80]  }
0x12b: {  	v3 =	vld [tilespmem:s19+$0xFFFFFF80]  }
0x12c: {  	v4 =	vld [tilespmem:s21+$0xFFFFFF80]  }
0x12d: {  	v5 =	vld [tilespmem:s19+$0x0]  }
0x12e: {  	v6 =	vld [tilespmem:s21+$0x0]  }
0x12f: {  	v7 =	vld [tilespmem:s19+$0xFFFFFF00];
	v1 =	vsub.f32 v1, v2  }
0x130: {  	v2 =	vld [tilespmem:s21+$0xFFFFFF00]  }
0x131: {  	[tilespmem:s19+$0x80] =	vst v1;
	v1 =	vld [tilespmem:s19+$0x90]  }
0x132: {  	v3 =	vsub.f32 v3, v4;
	v4 =	vld [tilespmem:s21+$0x90]  }
0x133: {  	v8 =	vld [tilespmem:s19+$0xFFFFFF10]  }
0x134: {  	[tilespmem:s19+$0xFFFFFF80] =	vst v3;
	v3 =	vsub.f32 v5, v6;
	v5 =	vld [tilespmem:s19+$0xFFFFFF90]  }
0x135: {  	v6 =	vld [tilespmem:s21+$0xFFFFFF90];
	v2 =	vsub.f32 v7, v2  }
0x136: {  	[tilespmem:s19+$0x0] =	vst v3;
	v3 =	vld [tilespmem:s19+$0x10]  }
0x137: {  	v7 =	vld [tilespmem:s21+$0x10];
	[tilespmem:s19+$0xFFFFFF00] =	vst v2;
	v1 =	vsub.f32 v1, v4  }
0x138: {  	v2 =	vld [tilespmem:s21+$0xFFFFFF10]  }
0x139: {  	[tilespmem:s19+$0x90] =	vst v1;
	v1 =	vld [tilespmem:s19+$0xA0]  }
0x13a: {  	v4 =	vsub.f32 v5, v6;
	v5 =	vld [tilespmem:s21+$0xA0]  }
0x13b: {  	v6 =	vld [tilespmem:s19+$0xFFFFFF20]  }
0x13c: {  	[tilespmem:s19+$0xFFFFFF90] =	vst v4;
	v3 =	vsub.f32 v3, v7;
	v4 =	vld [tilespmem:s19+$0xFFFFFFA0]  }
0x13d: {  	v7 =	vld [tilespmem:s21+$0xFFFFFFA0];
	v2 =	vsub.f32 v8, v2  }
0x13e: {  	[tilespmem:s19+$0x10] =	vst v3;
	v3 =	vld [tilespmem:s19+$0x20]  }
0x13f: {  	v8 =	vld [tilespmem:s21+$0x20];
	[tilespmem:s19+$0xFFFFFF10] =	vst v2;
	v1 =	vsub.f32 v1, v5  }
0x140: {  	v2 =	vld [tilespmem:s21+$0xFFFFFF20]  }
0x141: {  	[tilespmem:s19+$0xA0] =	vst v1;
	v1 =	vld [tilespmem:s19+$0xB0]  }
0x142: {  	v4 =	vsub.f32 v4, v7;
	v5 =	vld [tilespmem:s21+$0xB0]  }
0x143: {  	v7 =	vld [tilespmem:s19+$0xFFFFFF30]  }
0x144: {  	[tilespmem:s19+$0xFFFFFFA0] =	vst v4;
	v3 =	vsub.f32 v3, v8;
	v4 =	vld [tilespmem:s19+$0xFFFFFFB0]  }
0x145: {  	v8 =	vld [tilespmem:s21+$0xFFFFFFB0];
	v2 =	vsub.f32 v6, v2  }
0x146: {  	[tilespmem:s19+$0x20] =	vst v3;
	v3 =	vld [tilespmem:s19+$0x30]  }
0x147: {  	v6 =	vld [tilespmem:s21+$0x30];
	[tilespmem:s19+$0xFFFFFF20] =	vst v2;
	v1 =	vsub.f32 v1, v5  }
0x148: {  	v2 =	vld [tilespmem:s21+$0xFFFFFF30]  }
0x149: {  	[tilespmem:s19+$0xB0] =	vst v1;
	v1 =	vld [tilespmem:s19+$0xC0]  }
0x14a: {  	v4 =	vsub.f32 v4, v8;
	v5 =	vld [tilespmem:s21+$0xC0]  }
0x14b: {  	v8 =	vld [tilespmem:s19+$0xFFFFFF40]  }
0x14c: {  	[tilespmem:s19+$0xFFFFFFB0] =	vst v4;
	v3 =	vsub.f32 v3, v6;
	v4 =	vld [tilespmem:s19+$0xFFFFFFC0]  }
0x14d: {  	v6 =	vld [tilespmem:s21+$0xFFFFFFC0];
	v2 =	vsub.f32 v7, v2  }
0x14e: {  	[tilespmem:s19+$0x30] =	vst v3;
	v3 =	vld [tilespmem:s19+$0x40]  }
0x14f: {  	v7 =	vld [tilespmem:s21+$0x40];
	[tilespmem:s19+$0xFFFFFF30] =	vst v2;
	v1 =	vsub.f32 v1, v5  }
0x150: {  	v2 =	vld [tilespmem:s21+$0xFFFFFF40]  }
0x151: {  	[tilespmem:s19+$0xC0] =	vst v1;
	v1 =	vld [tilespmem:s19+$0xD0]  }
0x152: {  	v4 =	vsub.f32 v4, v6;
	v5 =	vld [tilespmem:s21+$0xD0]  }
0x153: {  	v6 =	vld [tilespmem:s19+$0xFFFFFF50]  }
0x154: {  	[tilespmem:s19+$0xFFFFFFC0] =	vst v4;
	v3 =	vsub.f32 v3, v7;
	v4 =	vld [tilespmem:s19+$0xFFFFFFD0]  }
0x155: {  	v7 =	vld [tilespmem:s21+$0xFFFFFFD0];
	v2 =	vsub.f32 v8, v2  }
0x156: {  	[tilespmem:s19+$0x40] =	vst v3;
	v3 =	vld [tilespmem:s19+$0x50]  }
0x157: {  	v8 =	vld [tilespmem:s21+$0x50];
	[tilespmem:s19+$0xFFFFFF40] =	vst v2;
	v1 =	vsub.f32 v1, v5  }
0x158: {  	v2 =	vld [tilespmem:s21+$0xFFFFFF50]  }
0x159: {  	[tilespmem:s19+$0xD0] =	vst v1;
	v1 =	vld [tilespmem:s19+$0xE0]  }
0x15a: {  	v4 =	vsub.f32 v4, v7;
	v5 =	vld [tilespmem:s21+$0xE0]  }
0x15b: {  	v7 =	vld [tilespmem:s19+$0xFFFFFF60]  }
0x15c: {  	[tilespmem:s19+$0xFFFFFFD0] =	vst v4;
	v3 =	vsub.f32 v3, v8;
	v4 =	vld [tilespmem:s19+$0xFFFFFFE0]  }
0x15d: {  	v8 =	vld [tilespmem:s21+$0xFFFFFFE0];
	v2 =	vsub.f32 v6, v2  }
0x15e: {  	[tilespmem:s19+$0x50] =	vst v3;
	v3 =	vld [tilespmem:s19+$0x60]  }
0x15f: {  	v6 =	vld [tilespmem:s21+$0x60];
	[tilespmem:s19+$0xFFFFFF50] =	vst v2;
	v1 =	vsub.f32 v1, v5  }
0x160: {  	v5 =	vld [tilespmem:s21+$0xFFFFFF60]  }
0x161: {  	v9 =	vld [tilespmem:s19+$0xF0];
	[tilespmem:s19+$0xE0] =	vst v1  }
0x162: {  	v2 =	vsub.f32 v4, v8;
	v8 =	vld [tilespmem:s21+$0xF0]  }
0x163: {  	v1 =	vld [tilespmem:s19+$0xFFFFFF70]  }
0x164: {  	[tilespmem:s19+$0xFFFFFFE0] =	vst v2;
	v3 =	vsub.f32 v3, v6;
	v2 =	vld [tilespmem:s19+$0xFFFFFFF0]  }
0x165: {  	v4 =	vld [tilespmem:s21+$0xFFFFFFF0];
	v5 =	vsub.f32 v7, v5  }
0x166: {  	[tilespmem:s19+$0x60] =	vst v3;
	v3 =	vld [tilespmem:s19+$0x70]  }
0x167: {  	[tilespmem:s19+$0xFFFFFF60] =	vst v5;
	v5 =	vld [tilespmem:s21+$0x70];
	v7 =	vsub.f32 v9, v8  }
0x168: {  	s22 =	simm.s32 $0x0;
	s23 =	simm.s32 $0x500;
	v6 =	vld [tilespmem:s21+$0xFFFFFF70]  }
.LBB2_6:
0x169: {  	v8 =	vld [tilespmem:s23+$0x80];
	[tilespmem:s19+$0xF0] =	vst v7;
	s21 =	sadd.s32 $0x200, s21  }
0x16a: {  	s22 =	sadd.s32 $0x4, s22;
	v2 =	vsub.f32 v2, v4;
	v7 =	vld [tilespmem:s21+$0x80]  }
0x16b: {  	p1 =	slt.u32 s22, $0x4C;
	v4 =	vld [tilespmem:s21+$0xFFFFFF00]  }
0x16c: {  	v9 =	vld [tilespmem:s23+$0xFFFFFF80];
	[tilespmem:s19+$0xFFFFFFF0] =	vst v2;
	v2 =	vsub.f32 v3, v5  }
0x16d: {  	v1 =	vsub.f32 v1, v6;
	v3 =	vld [tilespmem:s21+$0xFFFFFF80]  }
0x16e: {  	v5 =	vld [tilespmem:s23+$0x0];
	[tilespmem:s19+$0x70] =	vst v2  }
0x16f: {  	v2 =	vld [tilespmem:s21+$0x0];
	v6 =	vsub.f32 v8, v7;
	[tilespmem:s19+$0xFFFFFF70] =	vst v1;
	s19 =	smov.u32 s23  }
0x170: {  	v1 =	vld [tilespmem:s23+$0xFFFFFF00]  }
0x171: {  	[tilespmem:s23+$0x80] =	vst v6;
	v6 =	vld [tilespmem:s23+$0x90]  }
0x172: {  	v3 =	vsub.f32 v9, v3;
	v7 =	vld [tilespmem:s21+$0x90]  }
0x173: {  	v8 =	vld [tilespmem:s23+$0xFFFFFF10]  }
0x174: {  	[tilespmem:s23+$0xFFFFFF80] =	vst v3;
	v3 =	vld [tilespmem:s23+$0xFFFFFF90];
	v2 =	vsub.f32 v5, v2  }
0x175: {  	v1 =	vsub.f32 v1, v4;
	v4 =	vld [tilespmem:s21+$0xFFFFFF90]  }
0x176: {  	[tilespmem:s23+$0x0] =	vst v2;
	v2 =	vld [tilespmem:s23+$0x10]  }
0x177: {  	[tilespmem:s23+$0xFFFFFF00] =	vst v1;
	v1 =	vld [tilespmem:s21+$0x10];
	v5 =	vsub.f32 v6, v7  }
0x178: {  	v6 =	vld [tilespmem:s21+$0xFFFFFF10]  }
0x179: {  	[tilespmem:s23+$0x90] =	vst v5;
	v5 =	vld [tilespmem:s23+$0xA0]  }
0x17a: {  	v3 =	vsub.f32 v3, v4;
	v4 =	vld [tilespmem:s21+$0xA0]  }
0x17b: {  	v7 =	vld [tilespmem:s23+$0xFFFFFF20]  }
0x17c: {  	[tilespmem:s23+$0xFFFFFF90] =	vst v3;
	v3 =	vld [tilespmem:s23+$0xFFFFFFA0];
	v1 =	vsub.f32 v2, v1  }
0x17d: {  	v2 =	vsub.f32 v8, v6;
	v6 =	vld [tilespmem:s21+$0xFFFFFFA0]  }
0x17e: {  	[tilespmem:s23+$0x10] =	vst v1;
	v1 =	vld [tilespmem:s23+$0x20]  }
0x17f: {  	[tilespmem:s23+$0xFFFFFF10] =	vst v2;
	v2 =	vld [tilespmem:s21+$0x20];
	v4 =	vsub.f32 v5, v4  }
0x180: {  	v5 =	vld [tilespmem:s21+$0xFFFFFF20]  }
0x181: {  	[tilespmem:s23+$0xA0] =	vst v4;
	v4 =	vld [tilespmem:s23+$0xB0]  }
0x182: {  	v3 =	vsub.f32 v3, v6;
	v6 =	vld [tilespmem:s21+$0xB0]  }
0x183: {  	v8 =	vld [tilespmem:s23+$0xFFFFFF30]  }
0x184: {  	[tilespmem:s23+$0xFFFFFFA0] =	vst v3;
	v3 =	vld [tilespmem:s23+$0xFFFFFFB0];
	v1 =	vsub.f32 v1, v2  }
0x185: {  	v2 =	vsub.f32 v7, v5;
	v5 =	vld [tilespmem:s21+$0xFFFFFFB0]  }
0x186: {  	[tilespmem:s23+$0x20] =	vst v1;
	v1 =	vld [tilespmem:s23+$0x30]  }
0x187: {  	[tilespmem:s23+$0xFFFFFF20] =	vst v2;
	v2 =	vld [tilespmem:s21+$0x30];
	v4 =	vsub.f32 v4, v6  }
0x188: {  	v6 =	vld [tilespmem:s21+$0xFFFFFF30]  }
0x189: {  	[tilespmem:s23+$0xB0] =	vst v4;
	v4 =	vld [tilespmem:s23+$0xC0]  }
0x18a: {  	v3 =	vsub.f32 v3, v5;
	v5 =	vld [tilespmem:s21+$0xC0]  }
0x18b: {  	v7 =	vld [tilespmem:s23+$0xFFFFFF40]  }
0x18c: {  	[tilespmem:s23+$0xFFFFFFB0] =	vst v3;
	v3 =	vld [tilespmem:s23+$0xFFFFFFC0];
	v1 =	vsub.f32 v1, v2  }
0x18d: {  	v2 =	vsub.f32 v8, v6;
	v6 =	vld [tilespmem:s21+$0xFFFFFFC0]  }
0x18e: {  	[tilespmem:s23+$0x30] =	vst v1;
	v1 =	vld [tilespmem:s23+$0x40]  }
0x18f: {  	[tilespmem:s23+$0xFFFFFF30] =	vst v2;
	v2 =	vld [tilespmem:s21+$0x40];
	v4 =	vsub.f32 v4, v5  }
0x190: {  	v5 =	vld [tilespmem:s21+$0xFFFFFF40]  }
0x191: {  	[tilespmem:s23+$0xC0] =	vst v4;
	v4 =	vld [tilespmem:s23+$0xD0]  }
0x192: {  	v3 =	vsub.f32 v3, v6;
	v6 =	vld [tilespmem:s21+$0xD0]  }
0x193: {  	v8 =	vld [tilespmem:s23+$0xFFFFFF50]  }
0x194: {  	[tilespmem:s23+$0xFFFFFFC0] =	vst v3;
	v3 =	vld [tilespmem:s23+$0xFFFFFFD0];
	v1 =	vsub.f32 v1, v2  }
0x195: {  	v2 =	vsub.f32 v7, v5;
	v5 =	vld [tilespmem:s21+$0xFFFFFFD0]  }
0x196: {  	[tilespmem:s23+$0x40] =	vst v1;
	v1 =	vld [tilespmem:s23+$0x50]  }
0x197: {  	[tilespmem:s23+$0xFFFFFF40] =	vst v2;
	v2 =	vld [tilespmem:s21+$0x50];
	v4 =	vsub.f32 v4, v6  }
0x198: {  	v6 =	vld [tilespmem:s21+$0xFFFFFF50]  }
0x199: {  	[tilespmem:s23+$0xD0] =	vst v4;
	v4 =	vld [tilespmem:s23+$0xE0]  }
0x19a: {  	v3 =	vsub.f32 v3, v5;
	v5 =	vld [tilespmem:s21+$0xE0]  }
0x19b: {  	v7 =	vld [tilespmem:s23+$0xFFFFFF60]  }
0x19c: {  	[tilespmem:s23+$0xFFFFFFD0] =	vst v3;
	v3 =	vld [tilespmem:s23+$0xFFFFFFE0];
	v1 =	vsub.f32 v1, v2  }
0x19d: {  	v2 =	vsub.f32 v8, v6;
	v6 =	vld [tilespmem:s21+$0xFFFFFFE0]  }
0x19e: {  	[tilespmem:s23+$0x50] =	vst v1;
	v8 =	vld [tilespmem:s23+$0x60]  }
0x19f: {  	[tilespmem:s23+$0xFFFFFF50] =	vst v2;
	v9 =	vld [tilespmem:s21+$0x60];
	v1 =	vsub.f32 v4, v5  }
0x1a0: {  	v4 =	vld [tilespmem:s21+$0xFFFFFF60]  }
0x1a1: {  	[tilespmem:s23+$0xE0] =	vst v1;
	v10 =	vld [tilespmem:s23+$0xF0]  }
0x1a2: {  	v2 =	vsub.f32 v3, v6;
	v6 =	vld [tilespmem:s21+$0xF0]  }
0x1a3: {  	v1 =	vld [tilespmem:s23+$0xFFFFFF70]  }
.Ltmp7:
0x1a4: {  	[tilespmem:s23+$0xFFFFFFE0] =	vst v2;
	v2 =	vld [tilespmem:s23+$0xFFFFFFF0];
	v3 =	vsub.f32 v8, v9;
	(pc) =	sbr.rel @p1 .LBB2_6-.Ltmp7, $4  }
0x1a5: {  	v5 =	vsub.f32 v7, v4;
	v4 =	vld [tilespmem:s21+$0xFFFFFFF0]  }
0x1a6: {  	[tilespmem:s23+$0x60] =	vst v3;
	v3 =	vld [tilespmem:s23+$0x70]  }
0x1a7: {  	[tilespmem:s23+$0xFFFFFF60] =	vst v5;
	v5 =	vld [tilespmem:s21+$0x70];
	v7 =	vsub.f32 v10, v6  }
0x1a8: {  	s23 =	sadd.s32 $0x200, s23;
	v6 =	vld [tilespmem:s21+$0xFFFFFF70]  }
.Ltmp8:
0x1a9: {  	_ = 	snop;
	(pc) =	sbr.rel .LBB2_7-.Ltmp8, $1  }
0x1aa: {  	_ =	sdelay $0x3  }
.LBB2_13:
0x1ab: {  	_ =	swait.ge [sflag:s11], $0x2800  }
0x1ac: {  	[sflag:s11] =	ssyncset.done $0x0  }
0x1ad: {  	[sflag:s11] =	ssyncadd.s32 $0xFFFFD800  }
0x1ae: {  	_ =	swait.ge [sflag:s12], $0x2800  }
0x1af: {  	[sflag:s12] =	ssyncset.done $0x0  }
0x1b0: {  	s18 =	simm.s32 $0x300;
	[sflag:s12] =	ssyncadd.s32 $0xFFFFD800  }
0x1b1: {  	s19 =	simm.s32 $0x2B00;
	v1 =	vld [tilespmem:s18+$0x80]  }
0x1b2: {  	v2 =	vld [tilespmem:s19+$0x80]  }
0x1b3: {  	v3 =	vld [tilespmem:s18+$0xFFFFFF80]  }
0x1b4: {  	v4 =	vld [tilespmem:s19+$0xFFFFFF80]  }
0x1b5: {  	v5 =	vld [tilespmem:s18+$0x0]  }
0x1b6: {  	v6 =	vld [tilespmem:s19+$0x0]  }
0x1b7: {  	v7 =	vld [tilespmem:s18+$0xFFFFFF00];
	v1 =	vsub.f32 v1, v2  }
0x1b8: {  	v2 =	vld [tilespmem:s19+$0xFFFFFF00]  }
0x1b9: {  	[tilespmem:s18+$0x80] =	vst v1;
	v1 =	vld [tilespmem:s18+$0x90]  }
0x1ba: {  	v3 =	vsub.f32 v3, v4;
	v4 =	vld [tilespmem:s19+$0x90]  }
0x1bb: {  	v8 =	vld [tilespmem:s18+$0xFFFFFF10]  }
0x1bc: {  	[tilespmem:s18+$0xFFFFFF80] =	vst v3;
	v3 =	vsub.f32 v5, v6;
	v5 =	vld [tilespmem:s18+$0xFFFFFF90]  }
0x1bd: {  	v6 =	vld [tilespmem:s19+$0xFFFFFF90];
	v2 =	vsub.f32 v7, v2  }
0x1be: {  	[tilespmem:s18+$0x0] =	vst v3;
	v3 =	vld [tilespmem:s18+$0x10]  }
0x1bf: {  	v7 =	vld [tilespmem:s19+$0x10];
	[tilespmem:s18+$0xFFFFFF00] =	vst v2;
	v1 =	vsub.f32 v1, v4  }
0x1c0: {  	v2 =	vld [tilespmem:s19+$0xFFFFFF10]  }
0x1c1: {  	[tilespmem:s18+$0x90] =	vst v1;
	v1 =	vld [tilespmem:s18+$0xA0]  }
0x1c2: {  	v4 =	vsub.f32 v5, v6;
	v5 =	vld [tilespmem:s19+$0xA0]  }
0x1c3: {  	v6 =	vld [tilespmem:s18+$0xFFFFFF20]  }
0x1c4: {  	[tilespmem:s18+$0xFFFFFF90] =	vst v4;
	v3 =	vsub.f32 v3, v7;
	v4 =	vld [tilespmem:s18+$0xFFFFFFA0]  }
0x1c5: {  	v7 =	vld [tilespmem:s19+$0xFFFFFFA0];
	v2 =	vsub.f32 v8, v2  }
0x1c6: {  	[tilespmem:s18+$0x10] =	vst v3;
	v3 =	vld [tilespmem:s18+$0x20]  }
0x1c7: {  	v8 =	vld [tilespmem:s19+$0x20];
	[tilespmem:s18+$0xFFFFFF10] =	vst v2;
	v1 =	vsub.f32 v1, v5  }
0x1c8: {  	v2 =	vld [tilespmem:s19+$0xFFFFFF20]  }
0x1c9: {  	[tilespmem:s18+$0xA0] =	vst v1;
	v1 =	vld [tilespmem:s18+$0xB0]  }
0x1ca: {  	v4 =	vsub.f32 v4, v7;
	v5 =	vld [tilespmem:s19+$0xB0]  }
0x1cb: {  	v7 =	vld [tilespmem:s18+$0xFFFFFF30]  }
0x1cc: {  	[tilespmem:s18+$0xFFFFFFA0] =	vst v4;
	v3 =	vsub.f32 v3, v8;
	v4 =	vld [tilespmem:s18+$0xFFFFFFB0]  }
0x1cd: {  	v8 =	vld [tilespmem:s19+$0xFFFFFFB0];
	v2 =	vsub.f32 v6, v2  }
0x1ce: {  	[tilespmem:s18+$0x20] =	vst v3;
	v3 =	vld [tilespmem:s18+$0x30]  }
0x1cf: {  	v6 =	vld [tilespmem:s19+$0x30];
	[tilespmem:s18+$0xFFFFFF20] =	vst v2;
	v1 =	vsub.f32 v1, v5  }
0x1d0: {  	v2 =	vld [tilespmem:s19+$0xFFFFFF30]  }
0x1d1: {  	[tilespmem:s18+$0xB0] =	vst v1;
	v1 =	vld [tilespmem:s18+$0xC0]  }
0x1d2: {  	v4 =	vsub.f32 v4, v8;
	v5 =	vld [tilespmem:s19+$0xC0]  }
0x1d3: {  	v8 =	vld [tilespmem:s18+$0xFFFFFF40]  }
0x1d4: {  	[tilespmem:s18+$0xFFFFFFB0] =	vst v4;
	v3 =	vsub.f32 v3, v6;
	v4 =	vld [tilespmem:s18+$0xFFFFFFC0]  }
0x1d5: {  	v6 =	vld [tilespmem:s19+$0xFFFFFFC0];
	v2 =	vsub.f32 v7, v2  }
0x1d6: {  	[tilespmem:s18+$0x30] =	vst v3;
	v3 =	vld [tilespmem:s18+$0x40]  }
0x1d7: {  	v7 =	vld [tilespmem:s19+$0x40];
	[tilespmem:s18+$0xFFFFFF30] =	vst v2;
	v1 =	vsub.f32 v1, v5  }
0x1d8: {  	v2 =	vld [tilespmem:s19+$0xFFFFFF40]  }
0x1d9: {  	[tilespmem:s18+$0xC0] =	vst v1;
	v1 =	vld [tilespmem:s18+$0xD0]  }
0x1da: {  	v4 =	vsub.f32 v4, v6;
	v5 =	vld [tilespmem:s19+$0xD0]  }
0x1db: {  	v6 =	vld [tilespmem:s18+$0xFFFFFF50]  }
0x1dc: {  	[tilespmem:s18+$0xFFFFFFC0] =	vst v4;
	v3 =	vsub.f32 v3, v7;
	v4 =	vld [tilespmem:s18+$0xFFFFFFD0]  }
0x1dd: {  	v7 =	vld [tilespmem:s19+$0xFFFFFFD0];
	v2 =	vsub.f32 v8, v2  }
0x1de: {  	[tilespmem:s18+$0x40] =	vst v3;
	v3 =	vld [tilespmem:s18+$0x50]  }
0x1df: {  	v8 =	vld [tilespmem:s19+$0x50];
	[tilespmem:s18+$0xFFFFFF40] =	vst v2;
	v1 =	vsub.f32 v1, v5  }
0x1e0: {  	v2 =	vld [tilespmem:s19+$0xFFFFFF50]  }
0x1e1: {  	[tilespmem:s18+$0xD0] =	vst v1;
	v1 =	vld [tilespmem:s18+$0xE0]  }
0x1e2: {  	v4 =	vsub.f32 v4, v7;
	v5 =	vld [tilespmem:s19+$0xE0]  }
0x1e3: {  	v7 =	vld [tilespmem:s18+$0xFFFFFF60]  }
0x1e4: {  	[tilespmem:s18+$0xFFFFFFD0] =	vst v4;
	v3 =	vsub.f32 v3, v8;
	v4 =	vld [tilespmem:s18+$0xFFFFFFE0]  }
0x1e5: {  	v8 =	vld [tilespmem:s19+$0xFFFFFFE0];
	v2 =	vsub.f32 v6, v2  }
0x1e6: {  	[tilespmem:s18+$0x50] =	vst v3;
	v3 =	vld [tilespmem:s18+$0x60]  }
0x1e7: {  	v6 =	vld [tilespmem:s19+$0x60];
	[tilespmem:s18+$0xFFFFFF50] =	vst v2;
	v1 =	vsub.f32 v1, v5  }
0x1e8: {  	v5 =	vld [tilespmem:s19+$0xFFFFFF60]  }
0x1e9: {  	v9 =	vld [tilespmem:s18+$0xF0];
	[tilespmem:s18+$0xE0] =	vst v1  }
0x1ea: {  	v2 =	vsub.f32 v4, v8;
	v8 =	vld [tilespmem:s19+$0xF0]  }
0x1eb: {  	v1 =	vld [tilespmem:s18+$0xFFFFFF70]  }
0x1ec: {  	[tilespmem:s18+$0xFFFFFFE0] =	vst v2;
	v3 =	vsub.f32 v3, v6;
	v2 =	vld [tilespmem:s18+$0xFFFFFFF0]  }
0x1ed: {  	v4 =	vld [tilespmem:s19+$0xFFFFFFF0];
	v5 =	vsub.f32 v7, v5  }
0x1ee: {  	[tilespmem:s18+$0x60] =	vst v3;
	v3 =	vld [tilespmem:s18+$0x70]  }
0x1ef: {  	[tilespmem:s18+$0xFFFFFF60] =	vst v5;
	v5 =	vld [tilespmem:s19+$0x70];
	v7 =	vsub.f32 v9, v8  }
0x1f0: {  	s21 =	simm.s32 $0x0;
	s22 =	simm.s32 $0x500;
	v6 =	vld [tilespmem:s19+$0xFFFFFF70]  }
.LBB2_14:
0x1f1: {  	v8 =	vld [tilespmem:s22+$0x80];
	[tilespmem:s18+$0xF0] =	vst v7;
	s19 =	sadd.s32 $0x200, s19  }
0x1f2: {  	s21 =	sadd.s32 $0x4, s21;
	v7 =	vld [tilespmem:s19+$0x80];
	v2 =	vsub.f32 v2, v4  }
0x1f3: {  	p1 =	slt.u32 s21, $0x4C;
	v4 =	vld [tilespmem:s19+$0xFFFFFF00]  }
0x1f4: {  	v9 =	vld [tilespmem:s22+$0xFFFFFF80];
	[tilespmem:s18+$0xFFFFFFF0] =	vst v2;
	v2 =	vsub.f32 v3, v5  }
0x1f5: {  	v3 =	vld [tilespmem:s19+$0xFFFFFF80];
	v1 =	vsub.f32 v1, v6  }
0x1f6: {  	v5 =	vld [tilespmem:s22+$0x0];
	[tilespmem:s18+$0x70] =	vst v2  }
0x1f7: {  	v2 =	vld [tilespmem:s19+$0x0];
	v6 =	vsub.f32 v8, v7;
	[tilespmem:s18+$0xFFFFFF70] =	vst v1;
	s18 =	smov.u32 s22  }
0x1f8: {  	v1 =	vld [tilespmem:s22+$0xFFFFFF00]  }
0x1f9: {  	[tilespmem:s22+$0x80] =	vst v6;
	v6 =	vld [tilespmem:s22+$0x90]  }
0x1fa: {  	v3 =	vsub.f32 v9, v3;
	v7 =	vld [tilespmem:s19+$0x90]  }
0x1fb: {  	v8 =	vld [tilespmem:s22+$0xFFFFFF10]  }
0x1fc: {  	[tilespmem:s22+$0xFFFFFF80] =	vst v3;
	v3 =	vld [tilespmem:s22+$0xFFFFFF90];
	v2 =	vsub.f32 v5, v2  }
0x1fd: {  	v1 =	vsub.f32 v1, v4;
	v4 =	vld [tilespmem:s19+$0xFFFFFF90]  }
0x1fe: {  	[tilespmem:s22+$0x0] =	vst v2;
	v2 =	vld [tilespmem:s22+$0x10]  }
0x1ff: {  	[tilespmem:s22+$0xFFFFFF00] =	vst v1;
	v1 =	vld [tilespmem:s19+$0x10];
	v5 =	vsub.f32 v6, v7  }
0x200: {  	v6 =	vld [tilespmem:s19+$0xFFFFFF10]  }
0x201: {  	[tilespmem:s22+$0x90] =	vst v5;
	v5 =	vld [tilespmem:s22+$0xA0]  }
0x202: {  	v3 =	vsub.f32 v3, v4;
	v4 =	vld [tilespmem:s19+$0xA0]  }
0x203: {  	v7 =	vld [tilespmem:s22+$0xFFFFFF20]  }
0x204: {  	[tilespmem:s22+$0xFFFFFF90] =	vst v3;
	v3 =	vld [tilespmem:s22+$0xFFFFFFA0];
	v1 =	vsub.f32 v2, v1  }
0x205: {  	v2 =	vsub.f32 v8, v6;
	v6 =	vld [tilespmem:s19+$0xFFFFFFA0]  }
0x206: {  	[tilespmem:s22+$0x10] =	vst v1;
	v1 =	vld [tilespmem:s22+$0x20]  }
0x207: {  	[tilespmem:s22+$0xFFFFFF10] =	vst v2;
	v2 =	vld [tilespmem:s19+$0x20];
	v4 =	vsub.f32 v5, v4  }
0x208: {  	v5 =	vld [tilespmem:s19+$0xFFFFFF20]  }
0x209: {  	[tilespmem:s22+$0xA0] =	vst v4;
	v4 =	vld [tilespmem:s22+$0xB0]  }
0x20a: {  	v3 =	vsub.f32 v3, v6;
	v6 =	vld [tilespmem:s19+$0xB0]  }
0x20b: {  	v8 =	vld [tilespmem:s22+$0xFFFFFF30]  }
0x20c: {  	[tilespmem:s22+$0xFFFFFFA0] =	vst v3;
	v3 =	vld [tilespmem:s22+$0xFFFFFFB0];
	v1 =	vsub.f32 v1, v2  }
0x20d: {  	v2 =	vsub.f32 v7, v5;
	v5 =	vld [tilespmem:s19+$0xFFFFFFB0]  }
0x20e: {  	[tilespmem:s22+$0x20] =	vst v1;
	v1 =	vld [tilespmem:s22+$0x30]  }
0x20f: {  	[tilespmem:s22+$0xFFFFFF20] =	vst v2;
	v2 =	vld [tilespmem:s19+$0x30];
	v4 =	vsub.f32 v4, v6  }
0x210: {  	v6 =	vld [tilespmem:s19+$0xFFFFFF30]  }
0x211: {  	[tilespmem:s22+$0xB0] =	vst v4;
	v4 =	vld [tilespmem:s22+$0xC0]  }
0x212: {  	v3 =	vsub.f32 v3, v5;
	v5 =	vld [tilespmem:s19+$0xC0]  }
0x213: {  	v7 =	vld [tilespmem:s22+$0xFFFFFF40]  }
0x214: {  	[tilespmem:s22+$0xFFFFFFB0] =	vst v3;
	v3 =	vld [tilespmem:s22+$0xFFFFFFC0];
	v1 =	vsub.f32 v1, v2  }
0x215: {  	v2 =	vsub.f32 v8, v6;
	v6 =	vld [tilespmem:s19+$0xFFFFFFC0]  }
0x216: {  	[tilespmem:s22+$0x30] =	vst v1;
	v1 =	vld [tilespmem:s22+$0x40]  }
0x217: {  	[tilespmem:s22+$0xFFFFFF30] =	vst v2;
	v2 =	vld [tilespmem:s19+$0x40];
	v4 =	vsub.f32 v4, v5  }
0x218: {  	v5 =	vld [tilespmem:s19+$0xFFFFFF40]  }
0x219: {  	[tilespmem:s22+$0xC0] =	vst v4;
	v4 =	vld [tilespmem:s22+$0xD0]  }
0x21a: {  	v3 =	vsub.f32 v3, v6;
	v6 =	vld [tilespmem:s19+$0xD0]  }
0x21b: {  	v8 =	vld [tilespmem:s22+$0xFFFFFF50]  }
0x21c: {  	[tilespmem:s22+$0xFFFFFFC0] =	vst v3;
	v3 =	vld [tilespmem:s22+$0xFFFFFFD0];
	v1 =	vsub.f32 v1, v2  }
0x21d: {  	v2 =	vsub.f32 v7, v5;
	v5 =	vld [tilespmem:s19+$0xFFFFFFD0]  }
0x21e: {  	[tilespmem:s22+$0x40] =	vst v1;
	v1 =	vld [tilespmem:s22+$0x50]  }
0x21f: {  	[tilespmem:s22+$0xFFFFFF40] =	vst v2;
	v2 =	vld [tilespmem:s19+$0x50];
	v4 =	vsub.f32 v4, v6  }
0x220: {  	v6 =	vld [tilespmem:s19+$0xFFFFFF50]  }
0x221: {  	[tilespmem:s22+$0xD0] =	vst v4;
	v4 =	vld [tilespmem:s22+$0xE0]  }
0x222: {  	v3 =	vsub.f32 v3, v5;
	v5 =	vld [tilespmem:s19+$0xE0]  }
0x223: {  	v7 =	vld [tilespmem:s22+$0xFFFFFF60]  }
0x224: {  	[tilespmem:s22+$0xFFFFFFD0] =	vst v3;
	v3 =	vld [tilespmem:s22+$0xFFFFFFE0];
	v1 =	vsub.f32 v1, v2  }
0x225: {  	v2 =	vsub.f32 v8, v6;
	v6 =	vld [tilespmem:s19+$0xFFFFFFE0]  }
0x226: {  	[tilespmem:s22+$0x50] =	vst v1;
	v8 =	vld [tilespmem:s22+$0x60]  }
0x227: {  	[tilespmem:s22+$0xFFFFFF50] =	vst v2;
	v9 =	vld [tilespmem:s19+$0x60];
	v1 =	vsub.f32 v4, v5  }
0x228: {  	v4 =	vld [tilespmem:s19+$0xFFFFFF60]  }
0x229: {  	[tilespmem:s22+$0xE0] =	vst v1;
	v10 =	vld [tilespmem:s22+$0xF0]  }
0x22a: {  	v2 =	vsub.f32 v3, v6;
	v6 =	vld [tilespmem:s19+$0xF0]  }
0x22b: {  	v1 =	vld [tilespmem:s22+$0xFFFFFF70]  }
.Ltmp9:
0x22c: {  	[tilespmem:s22+$0xFFFFFFE0] =	vst v2;
	v2 =	vld [tilespmem:s22+$0xFFFFFFF0];
	v3 =	vsub.f32 v8, v9;
	(pc) =	sbr.rel @p1 .LBB2_14-.Ltmp9, $4  }
0x22d: {  	v5 =	vsub.f32 v7, v4;
	v4 =	vld [tilespmem:s19+$0xFFFFFFF0]  }
0x22e: {  	[tilespmem:s22+$0x60] =	vst v3;
	v3 =	vld [tilespmem:s22+$0x70]  }
0x22f: {  	[tilespmem:s22+$0xFFFFFF60] =	vst v5;
	v5 =	vld [tilespmem:s19+$0x70];
	v7 =	vsub.f32 v10, v6  }
0x230: {  	s22 =	sadd.s32 $0x200, s22;
	v6 =	vld [tilespmem:s19+$0xFFFFFF70]  }
0x231: {  	_ =	sdelay $0x1  }
0x232: {  	v2 =	vsub.f32 v2, v4  }
0x233: {  	[tilespmem:s18+$0xF0] =	vst v7;
	v3 =	vsub.f32 v3, v5  }
0x234: {  	[tilespmem:s18+$0xFFFFFFF0] =	vst v2;
	v1 =	vsub.f32 v1, v6  }
0x235: {  	[tilespmem:s18+$0x70] =	vst v3  }
0x236: {  	[tilespmem:s18+$0xFFFFFF70] =	vst v1  }
0x237: {  	[spmem:s2] =	stream.indirect.scatter.add.f32 [tilespmem:s24], [sflag:$0x9], $0x80, s26, s30, $0xb8;
	[tilespmem:$0x1DA80] =	vst v63  }
0x238: {  	_ =	swait.ge [sflag:s25], $0x2800  }
0x239: {  	[sflag:s25] =	ssyncset.done $0x0  }
0x23a: {  	s22 =	stileid.u32;
	[sflag:s25] =	ssyncadd.s32 $0xFFFFD800  }
0x23b: {  	s18 =	sshll.u32 s22, $0x6;
	[bflag:$0x0] =	sbarrier.arrive $0xFFFF  }
0x23c: {  	s19 =	sshrl.u32 s7, $0x3;
	s18 =	sor.u32 $0x1C09, s18;
	s21 =	rddreg [dreg:$0xf]  }
0x23d: {  	[hbm:s21], [sflag:s18] =	dma.local [spmem:s19], $0x2700  }
0x23e: {  	_ =	swait.ge [sflag:s25], $0x2700  }
0x23f: {  	[sflag:s25] =	ssyncset.done $0x0  }
0x240: {  	s19 =	sshrl.u32 @!p0 s15, $0x3;
	s21 =	rddreg [dreg:$0x10];
	[sflag:s25] =	ssyncadd.s32 $0xFFFFD900  }
0x241: {  	[hbm:s21], [sflag:s18] =	dma.local @!p0 [spmem:s19], $0x100  }
0x242: {  	s18 =	simm.s32 @!p0 $0x9  }
0x243: {  	_ =	swait.ge @!p0 [sflag:s18], $0x100  }
0x244: {  	s17 =	sadd.s32 $0x1, s17;
	s23 =	rddreg [dreg:$0x11]  }
0x245: {  	p1 =	sne.s32 s17, s23  }
.Ltmp10:
0x246: {  	_ = 	snop;
	(pc) =	sbr.rel @p1 .LBB2_1-.Ltmp10, $3  }
0x247: {  	_ =	sdelay $0x1  }
0x248: {  	[sflag:s18] =	ssyncset.done @!p0 $0x0  }
0x249: {  	[sflag:s18] =	ssyncadd.s32 @!p0 $0xFFFFFF00  }
0x24a: {  	_ =	sfence.sel $0x180000  }
0x24b: {  	[bflag:$0x0] =	sbarrier.arrive $0xFFFF  }
0x24c: {  	_ =	strace $0x90000047  }
0x24d: {  	s0 =	stileid.u32;
	[bflag:$0x2] =	sbarrier.arrive $0xFFFF  }
0x24e: {  	p0 =	sne.s32 s0, $0x0;
	s0 =	rddreg [dreg:$0x3]  }
0x24f: {  	s0 =	sadd.s32 @!p0 $0x100000, s0  }
0x250: {  	[sflag:s0] =	ssyncadd.tile.s32 @!p0 $0x1;
	_ =	shalt  }
.Lfunc_end2:
_tile_overlayer_lowered:
.L_overlay_start_2:
0x251: {  	(tag) =	ssettag $0x2  }
0x252: {  	s0 =	rddreg [dreg:$0x0];
	s2 =	stileid.u32  }
0x253: {  	s1 =	rddreg [dreg:$0x1];
	p0 =	sne.s32 s2, $0x0  }
0x254: {  	s3 =	rddreg [dreg:$0x2];
	[bflag:$0x3] =	sbarrier.arrive $0xFFFF;
	s2 =	simm.s32 @!p0 $0x1C09  }
0x255: {  	[timem:s3], [sflag:s2] =	dma.local @!p0 [hbm:s0], s1  }
0x256: {  	s0 =	simm.s32 @!p0 $0x9  }
0x257: {  	_ =	swait.ge @!p0 [sflag:s0], s1  }
0x258: {  	s1 =	ssub.s32 @!p0 $0x0, s1;
	[sflag:s0] =	ssyncset.done @!p0 $0x0  }
0x259: {  	[sflag:s0] =	ssyncadd.s32 @!p0 s1  }
0x25a: {  	[bflag:$0x3] =	sbarrier.arrive $0xFFFF  }
0x25b: {  	_ =	shalt  }

</sc_bundles>
